<compile_context>
chip_gen: v7x
topology: tpu7x:2x2x1
jax: 0.10.2.dev20260603
libtpu: 0.0.44.dev20260713+nightly
codegen_flags: <defaults>
</compile_context>

<pallas_src>
import jax
import jax.numpy as jnp
from jax import lax
from jax.experimental import pallas as pl
from jax.experimental.pallas import tpu as pltpu
from jax.experimental.pallas import tpu_sc as plsc

E = 8
D = 1024
F = 2048
T = 2048
NP = 2 * T
BLK = 256
P = NP + E * BLK
NBLK = P // BLK
SB = 512



def _router_kernel(x_ref, gate_ref, pp_ref, tw_ref, be_ref):
    x = x_ref[...]
    logits = lax.dot_general(x, gate_ref[...], (((1,), (1,)), ((), ())),
                             preferred_element_type=jnp.float32)
    e_iota = lax.broadcasted_iota(jnp.int32, (T, E), 1)
    m1 = jnp.max(logits, axis=1, keepdims=True)
    i1 = jnp.min(jnp.where(logits == m1, e_iota, E), axis=1, keepdims=True)
    l2 = jnp.where(e_iota == i1, -jnp.inf, logits)
    m2 = jnp.max(l2, axis=1, keepdims=True)
    i2 = jnp.min(jnp.where(l2 == m2, e_iota, E), axis=1, keepdims=True)
    r = jnp.exp(m2 - m1)
    tw0 = 1.0 / (1.0 + r)
    tw1 = r / (1.0 + r)

    one1 = (e_iota == i1).astype(jnp.float32)
    one2 = (e_iota == i2).astype(jnp.float32)
    ls = (lax.broadcasted_iota(jnp.int32, (SB, SB), 0)
          > lax.broadcasted_iota(jnp.int32, (SB, SB), 1)).astype(jnp.float32)
    carry = jnp.zeros((1, E), jnp.float32)
    ranks = []
    for part in (one1, one2):
        for b in range(T // SB):
            blk = lax.slice(part, (b * SB, 0), ((b + 1) * SB, E))
            ranks.append(
                lax.dot_general(ls, blk, (((1,), (0,)), ((), ())),
                                preferred_element_type=jnp.float32) + carry)
            carry = carry + jnp.sum(blk, axis=0, keepdims=True)
    rank1 = jnp.concatenate(ranks[: T // SB], axis=0)
    rank2 = jnp.concatenate(ranks[T // SB:], axis=0)
    counts = carry
    cnt_pad = jnp.ceil(counts / BLK) * BLK
    ustrict = (lax.broadcasted_iota(jnp.int32, (E, E), 0)
               < lax.broadcasted_iota(jnp.int32, (E, E), 1)).astype(jnp.float32)
    off = lax.dot_general(cnt_pad, ustrict, (((1,), (0,)), ((), ())),
                          preferred_element_type=jnp.float32)
    incl = off + cnt_pad

    pos1 = jnp.sum(jnp.where(e_iota == i1, rank1 + off, 0.0), axis=1,
                   keepdims=True)
    pos2 = jnp.sum(jnp.where(e_iota == i2, rank2 + off, 0.0), axis=1,
                   keepdims=True)
    pp_ref[...] = jnp.concatenate([pos1, pos2], axis=1).astype(jnp.int32)
    tw_ref[...] = jnp.concatenate([tw0, tw1], axis=1)

    starts = (lax.broadcasted_iota(jnp.int32, (1, NBLK), 1) * BLK
              ).astype(jnp.float32)
    be = jnp.zeros((1, NBLK), jnp.float32)
    for e in range(E):
        incl_e = lax.slice(incl, (0, e), (1, e + 1))
        be = be + (starts >= incl_e).astype(jnp.float32)
    be_ref[...] = jnp.minimum(be, E - 1).astype(jnp.int32)


def _router(x, gate_w):
    return pl.pallas_call(
        _router_kernel,
        grid=(1,),
        in_specs=[
            pl.BlockSpec((T, D), lambda i: (0, 0)),
            pl.BlockSpec((E, D), lambda i: (0, 0)),
        ],
        out_specs=[
            pl.BlockSpec((T, 2), lambda i: (0, 0)),
            pl.BlockSpec((T, 2), lambda i: (0, 0)),
            pl.BlockSpec((1, NBLK), lambda i: (0, 0)),
        ],
        out_shape=[
            jax.ShapeDtypeStruct((T, 2), jnp.int32),
            jax.ShapeDtypeStruct((T, 2), jnp.float32),
            jax.ShapeDtypeStruct((1, NBLK), jnp.int32),
        ],
    )(x, gate_w)



RPT = P // 32
GCH = 48
NCH = RPT // GCH


def _scatter_body(pp_hbm, tw_hbm, srt_hbm, sw_hbm, pp_v, tw_v, src_v, w_v):
    cid = lax.axis_index("c")
    sid = lax.axis_index("s")
    wid = sid * 2 + cid
    lo = wid * RPT

    pltpu.sync_copy(pp_hbm, pp_v)
    pltpu.sync_copy(tw_hbm, tw_v)

    zi = jnp.zeros((16,), jnp.int32)
    zf = jnp.zeros((16,), jnp.float32)
    for c in range(RPT // 16):
        src_v[pl.ds(c * 16, 16)] = zi
        w_v[pl.ds(c * 16, 16)] = zf

    def scatter_step(i, carry):
        base = i * 16
        idx = pp_v[pl.ds(base, 16)]
        vals = tw_v[pl.ds(base, 16)]
        tok = (lax.iota(jnp.int32, 16) + base) & (T - 1)
        m = (idx >= lo) & (idx < lo + RPT)
        q = jnp.clip(idx - lo, 0, RPT - 1)
        plsc.store_scatter(w_v, [q], vals, mask=m)
        plsc.store_scatter(src_v, [q], tok, mask=m)
        return carry

    lax.fori_loop(0, NP // 16, scatter_step, 0)

    pltpu.sync_copy(src_v, srt_hbm.at[pl.ds(lo, RPT)])
    pltpu.sync_copy(w_v, sw_hbm.at[pl.ds(lo, RPT)])


def _scatter(pp_flat, tw_flat):
    mesh = plsc.VectorSubcoreMesh(core_axis_name="c", subcore_axis_name="s")
    return pl.kernel(
        _scatter_body,
        out_type=[
            jax.ShapeDtypeStruct((P,), jnp.int32),
            jax.ShapeDtypeStruct((P,), jnp.float32),
        ],
        mesh=mesh,
        scratch_types=[
            pltpu.VMEM((NP,), jnp.int32),
            pltpu.VMEM((NP,), jnp.float32),
            pltpu.VMEM((RPT,), jnp.int32),
            pltpu.VMEM((RPT,), jnp.float32),
        ],
        compiler_params=pltpu.CompilerParams(needs_layout_passes=False),
    )(pp_flat, tw_flat)


def _fused_kernel(be_ref, x_ref, srt_ref, sw_ref, w1_ref, w3_ref, w2_ref,
                  out_ref):
    j = pl.program_id(0)

    @pl.when(j == 0)
    def _init():
        out_ref[...] = jnp.zeros_like(out_ref)

    ohT = (lax.broadcasted_iota(jnp.int32, (T, BLK), 0)
           == srt_ref[0]).astype(jnp.bfloat16)
    xg = lax.dot_general(ohT, x_ref[...], (((0,), (0,)), ((), ())),
                         preferred_element_type=jnp.float32)
    eo = None
    for hh in range(4):
        sl = pl.ds(hh * (F // 4), F // 4)
        h1 = lax.dot_general(xg, w1_ref[0, sl, :], (((1,), (1,)), ((), ())),
                             preferred_element_type=jnp.float32)
        h3 = lax.dot_general(xg, w3_ref[0, sl, :], (((1,), (1,)), ((), ())),
                             preferred_element_type=jnp.float32)
        h = (h1 * lax.logistic(h1)) * h3
        part = lax.dot_general(h, w2_ref[0, :, sl], (((1,), (1,)), ((), ())),
                               preferred_element_type=jnp.float32)
        eo = part if eo is None else eo + part
    ohw = ohT * sw_ref[0].astype(jnp.bfloat16)
    out_ref[...] += lax.dot_general(ohw, eo.astype(jnp.bfloat16),
                                    (((1,), (0,)), ((), ())),
                                    preferred_element_type=jnp.float32)


def _fused(be, x16, srt2d, sw2d, w1, w3, w2):
    grid_spec = pltpu.PrefetchScalarGridSpec(
        num_scalar_prefetch=1,
        grid=(NBLK,),
        in_specs=[
            pl.BlockSpec((T, D), lambda j, be: (0, 0),
                         pipeline_mode=pl.Buffered(buffer_count=1)),
            pl.BlockSpec((1, 1, BLK), lambda j, be: (j, 0, 0)),
            pl.BlockSpec((1, 1, BLK), lambda j, be: (j, 0, 0)),
            pl.BlockSpec((1, F, D), lambda j, be: (be[j], 0, 0)),
            pl.BlockSpec((1, F, D), lambda j, be: (be[j], 0, 0)),
            pl.BlockSpec((1, D, F), lambda j, be: (be[j], 0, 0)),
        ],
        out_specs=pl.BlockSpec((T, D), lambda j, be: (0, 0),
                               pipeline_mode=pl.Buffered(buffer_count=1)),
    )
    return pl.pallas_call(
        _fused_kernel,
        grid_spec=grid_spec,
        out_shape=jax.ShapeDtypeStruct((T, D), jnp.float32),
        compiler_params=pltpu.CompilerParams(
            dimension_semantics=("arbitrary",),
            vmem_limit_bytes=63 * 1024 * 1024 + 768 * 1024),
    )(be, x16, srt2d, sw2d, w1, w3, w2)


def kernel(hidden_states, gate_w, w1, w3, w2):
    b, s, d = hidden_states.shape
    x = hidden_states.reshape(-1, d)
    pp, tw, be = _router(x, gate_w)
    pp_flat = pp.T.reshape(NP)
    tw_flat = tw.T.reshape(NP)
    srt, sw = _scatter(pp_flat, tw_flat)
    out = _fused(be.reshape(NBLK), x.astype(jnp.bfloat16),
                 srt.reshape(NBLK, 1, BLK), sw.reshape(NBLK, 1, BLK),
                 w1, w3, w2)
    return out.reshape(b, s, d)

# --- scband reference (transcript-rebuilt; emitter-appended) ---
"""Pipeline reference for scband-mixtral-sparse-moe-block-75960791597570 (READ-ONLY COPY).

The authoritative reference and input builder live on the scoring server;
editing this copy changes nothing except your own understanding.
"""

import jax, jax.numpy as jnp
import numpy as np

NUM_EXPERTS = 8
TOP_K = 2
D_MODEL = 1024
D_FF = 2048
BATCH = 1
SEQ = 2048


def setup_inputs(seed: int = 0):
    key = jax.random.key(seed)
    k1, k2, k3, k4, k5 = jax.random.split(key, 5)
    hidden_states = jax.random.normal(k1, (BATCH, SEQ, D_MODEL), dtype=jnp.float32)
    gate_w = jax.random.normal(k2, (NUM_EXPERTS, D_MODEL), dtype=jnp.float32) * 0.02
    w1 = jax.random.normal(k3, (NUM_EXPERTS, D_FF, D_MODEL), dtype=jnp.float32) * 0.02
    w3 = jax.random.normal(k4, (NUM_EXPERTS, D_FF, D_MODEL), dtype=jnp.float32) * 0.02
    w2 = jax.random.normal(k5, (NUM_EXPERTS, D_MODEL, D_FF), dtype=jnp.float32) * 0.02
    return {"hidden_states": hidden_states, "gate_w": gate_w, "w1": w1, "w3": w3, "w2": w2}


def _moe_forward(hidden_states, gate_w, w1, w3, w2):
    b, s, d = hidden_states.shape
    x = hidden_states.reshape(-1, d)
    t = x.shape[0]
    # gate: nn.Linear(d_model, num_experts, bias=False)
    router_logits = x @ gate_w.T
    routing_weights = jax.nn.softmax(router_logits.astype(jnp.float32), axis=-1)
    topk_w, topk_idx = jax.lax.top_k(routing_weights, TOP_K)
    # normalize top-k weights (the True flag in custom_moe_glu)
    topk_w = topk_w / jnp.sum(topk_w, axis=-1, keepdims=True)
    # dense routing matrix [T, E]: zero except selected experts
    dense_w = jnp.zeros_like(routing_weights)
    dense_w = dense_w.at[jnp.arange(t)[:, None], topk_idx].set(topk_w)
    # GLU expert MLPs computed with stacked expert weights; unselected experts
    # have zero routing weight so their contribution vanishes exactly
    h1 = jnp.einsum('td,efd->tef', x, w1)
    h3 = jnp.einsum('td,efd->tef', x, w3)
    h = jax.nn.silu(h1) * h3
    expert_out = jnp.einsum('tef,edf->ted', h, w2)
    out = jnp.einsum('ted,te->td', expert_out, dense_w)
    return out.reshape(b, s, d)


def reference(hidden_states, gate_w, w1, w3, w2):
    return _moe_forward(hidden_states, gate_w, w1, w3, w2)

if __name__ == "__main__":
    import jax
    _d = setup_inputs()
    print(jax.jit(kernel)(*tuple(_d.values())))

</pallas_src>

<mosaic_0001>
#map = affine_map<(d0, d1) -> (0)>
module attributes {stable_mosaic.version = 14 : i64} {
  func.func @_scatter_body(%arg0: i32, %arg1: i32, %arg2: memref<4096xi32, #tpu.memory_space<hbm>>, %arg3: memref<4096xf32, #tpu.memory_space<hbm>>, %arg4: memref<6144xi32, #tpu.memory_space<hbm>>, %arg5: memref<6144xf32, #tpu.memory_space<hbm>>, %arg6: memref<4096xi32, #tpu.memory_space<vmem>>, %arg7: memref<4096xf32, #tpu.memory_space<vmem>>, %arg8: memref<192xi32, #tpu.memory_space<vmem>>, %arg9: memref<192xf32, #tpu.memory_space<vmem>>) attributes {dimension_semantics = [#tpu.dimension_semantics<core_parallel>, #tpu.dimension_semantics<subcore_parallel>], iteration_bounds = array<i64: 2, 16>, scalar_prefetch = 0 : i64, scratch_operands = 4 : i64, tpu.core_type = #tpu.core_type<sc_vector_subcore>, window_params = [{transform_indices = #map}, {transform_indices = #map}, {transform_indices = #map}, {transform_indices = #map}]} {
    %mul3A = arith.constant 2 : i32
    %mul3A_0 = arith.muli %arg1, %mul3A : i32
    %add3A = arith.addi %mul3A_0, %arg0 : i32
    %mul3A_1 = arith.constant 192 : i32
    %mul3A_2 = arith.muli %add3A, %mul3A_1 : i32
    "tpu.region"() ({
      %run_scoped3A = tpu.sem_alloc : memref<!tpu.dma_semaphore, #tpu.memory_space<semaphore_mem>>
      tpu.enqueue_dma source(%arg2 : memref<4096xi32, #tpu.memory_space<hbm>>) target(%arg6 : memref<4096xi32, #tpu.memory_space<vmem>>) target_semaphore(%run_scoped3A : memref<!tpu.dma_semaphore, #tpu.memory_space<semaphore_mem>>)
      tpu.wait_dma2 semaphore(%run_scoped3A : memref<!tpu.dma_semaphore, #tpu.memory_space<semaphore_mem>>) src(%arg2 : memref<4096xi32, #tpu.memory_space<hbm>>) dst(%arg6 : memref<4096xi32, #tpu.memory_space<vmem>>)
      tpu.yield
    }) : () -> ()
    "tpu.region"() ({
      %run_scoped3A = tpu.sem_alloc : memref<!tpu.dma_semaphore, #tpu.memory_space<semaphore_mem>>
      tpu.enqueue_dma source(%arg3 : memref<4096xf32, #tpu.memory_space<hbm>>) target(%arg7 : memref<4096xf32, #tpu.memory_space<vmem>>) target_semaphore(%run_scoped3A : memref<!tpu.dma_semaphore, #tpu.memory_space<semaphore_mem>>)
      tpu.wait_dma2 semaphore(%run_scoped3A : memref<!tpu.dma_semaphore, #tpu.memory_space<semaphore_mem>>) src(%arg3 : memref<4096xf32, #tpu.memory_space<hbm>>) dst(%arg7 : memref<4096xf32, #tpu.memory_space<vmem>>)
      tpu.yield
    }) : () -> ()
    %broadcast_in_dim3A = arith.constant 0 : i32
    %broadcast_in_dim3A_3 = vector.broadcast %broadcast_in_dim3A : i32 to vector<16xi32>
    %broadcast_in_dim3A_4 = arith.constant 0.000000e+00 : f32
    %broadcast_in_dim3A_5 = vector.broadcast %broadcast_in_dim3A_4 : f32 to vector<16xf32>
    %swap3A = arith.constant 0 : index
    %swap3A_6 = tpu.vector_load %arg8[%swap3A] {strides = array<i32>} : memref<192xi32, #tpu.memory_space<vmem>>, vector<16xi32>,
    tpu.vector_store %arg8[%swap3A], %broadcast_in_dim3A_3 {strides = array<i32>} : memref<192xi32, #tpu.memory_space<vmem>>, vector<16xi32>,
    %swap3A_7 = arith.constant 0 : index
    %swap3A_8 = tpu.vector_load %arg9[%swap3A_7] {strides = array<i32>} : memref<192xf32, #tpu.memory_space<vmem>>, vector<16xf32>,
    tpu.vector_store %arg9[%swap3A_7], %broadcast_in_dim3A_5 {strides = array<i32>} : memref<192xf32, #tpu.memory_space<vmem>>, vector<16xf32>,
    %swap3A_9 = arith.constant 16 : index
    %swap3A_10 = tpu.vector_load %arg8[%swap3A_9] {strides = array<i32>} : memref<192xi32, #tpu.memory_space<vmem>>, vector<16xi32>,
    tpu.vector_store %arg8[%swap3A_9], %broadcast_in_dim3A_3 {strides = array<i32>} : memref<192xi32, #tpu.memory_space<vmem>>, vector<16xi32>,
    %swap3A_11 = arith.constant 16 : index
    %swap3A_12 = tpu.vector_load %arg9[%swap3A_11] {strides = array<i32>} : memref<192xf32, #tpu.memory_space<vmem>>, vector<16xf32>,
    tpu.vector_store %arg9[%swap3A_11], %broadcast_in_dim3A_5 {strides = array<i32>} : memref<192xf32, #tpu.memory_space<vmem>>, vector<16xf32>,
    %swap3A_13 = arith.constant 32 : index
    %swap3A_14 = tpu.vector_load %arg8[%swap3A_13] {strides = array<i32>} : memref<192xi32, #tpu.memory_space<vmem>>, vector<16xi32>,
    tpu.vector_store %arg8[%swap3A_13], %broadcast_in_dim3A_3 {strides = array<i32>} : memref<192xi32, #tpu.memory_space<vmem>>, vector<16xi32>,
    %swap3A_15 = arith.constant 32 : index
    %swap3A_16 = tpu.vector_load %arg9[%swap3A_15] {strides = array<i32>} : memref<192xf32, #tpu.memory_space<vmem>>, vector<16xf32>,
    tpu.vector_store %arg9[%swap3A_15], %broadcast_in_dim3A_5 {strides = array<i32>} : memref<192xf32, #tpu.memory_space<vmem>>, vector<16xf32>,
    %swap3A_17 = arith.constant 48 : index
    %swap3A_18 = tpu.vector_load %arg8[%swap3A_17] {strides = array<i32>} : memref<192xi32, #tpu.memory_space<vmem>>, vector<16xi32>,
    tpu.vector_store %arg8[%swap3A_17], %broadcast_in_dim3A_3 {strides = array<i32>} : memref<192xi32, #tpu.memory_space<vmem>>, vector<16xi32>,
    %swap3A_19 = arith.constant 48 : index
    %swap3A_20 = tpu.vector_load %arg9[%swap3A_19] {strides = array<i32>} : memref<192xf32, #tpu.memory_space<vmem>>, vector<16xf32>,
    tpu.vector_store %arg9[%swap3A_19], %broadcast_in_dim3A_5 {strides = array<i32>} : memref<192xf32, #tpu.memory_space<vmem>>, vector<16xf32>,
    %swap3A_21 = arith.constant 64 : index
    %swap3A_22 = tpu.vector_load %arg8[%swap3A_21] {strides = array<i32>} : memref<192xi32, #tpu.memory_space<vmem>>, vector<16xi32>,
    tpu.vector_store %arg8[%swap3A_21], %broadcast_in_dim3A_3 {strides = array<i32>} : memref<192xi32, #tpu.memory_space<vmem>>, vector<16xi32>,
    %swap3A_23 = arith.constant 64 : index
    %swap3A_24 = tpu.vector_load %arg9[%swap3A_23] {strides = array<i32>} : memref<192xf32, #tpu.memory_space<vmem>>, vector<16xf32>,
    tpu.vector_store %arg9[%swap3A_23], %broadcast_in_dim3A_5 {strides = array<i32>} : memref<192xf32, #tpu.memory_space<vmem>>, vector<16xf32>,
    %swap3A_25 = arith.constant 80 : index
    %swap3A_26 = tpu.vector_load %arg8[%swap3A_25] {strides = array<i32>} : memref<192xi32, #tpu.memory_space<vmem>>, vector<16xi32>,
    tpu.vector_store %arg8[%swap3A_25], %broadcast_in_dim3A_3 {strides = array<i32>} : memref<192xi32, #tpu.memory_space<vmem>>, vector<16xi32>,
    %swap3A_27 = arith.constant 80 : index
    %swap3A_28 = tpu.vector_load %arg9[%swap3A_27] {strides = array<i32>} : memref<192xf32, #tpu.memory_space<vmem>>, vector<16xf32>,
    tpu.vector_store %arg9[%swap3A_27], %broadcast_in_dim3A_5 {strides = array<i32>} : memref<192xf32, #tpu.memory_space<vmem>>, vector<16xf32>,
    %swap3A_29 = arith.constant 96 : index
    %swap3A_30 = tpu.vector_load %arg8[%swap3A_29] {strides = array<i32>} : memref<192xi32, #tpu.memory_space<vmem>>, vector<16xi32>,
    tpu.vector_store %arg8[%swap3A_29], %broadcast_in_dim3A_3 {strides = array<i32>} : memref<192xi32, #tpu.memory_space<vmem>>, vector<16xi32>,
    %swap3A_31 = arith.constant 96 : index
    %swap3A_32 = tpu.vector_load %arg9[%swap3A_31] {strides = array<i32>} : memref<192xf32, #tpu.memory_space<vmem>>, vector<16xf32>,
    tpu.vector_store %arg9[%swap3A_31], %broadcast_in_dim3A_5 {strides = array<i32>} : memref<192xf32, #tpu.memory_space<vmem>>, vector<16xf32>,
    %swap3A_33 = arith.constant 112 : index
    %swap3A_34 = tpu.vector_load %arg8[%swap3A_33] {strides = array<i32>} : memref<192xi32, #tpu.memory_space<vmem>>, vector<16xi32>,
    tpu.vector_store %arg8[%swap3A_33], %broadcast_in_dim3A_3 {strides = array<i32>} : memref<192xi32, #tpu.memory_space<vmem>>, vector<16xi32>,
    %swap3A_35 = arith.constant 112 : index
    %swap3A_36 = tpu.vector_load %arg9[%swap3A_35] {strides = array<i32>} : memref<192xf32, #tpu.memory_space<vmem>>, vector<16xf32>,
    tpu.vector_store %arg9[%swap3A_35], %broadcast_in_dim3A_5 {strides = array<i32>} : memref<192xf32, #tpu.memory_space<vmem>>, vector<16xf32>,
    %swap3A_37 = arith.constant 128 : index
    %swap3A_38 = tpu.vector_load %arg8[%swap3A_37] {strides = array<i32>} : memref<192xi32, #tpu.memory_space<vmem>>, vector<16xi32>,
    tpu.vector_store %arg8[%swap3A_37], %broadcast_in_dim3A_3 {strides = array<i32>} : memref<192xi32, #tpu.memory_space<vmem>>, vector<16xi32>,
    %swap3A_39 = arith.constant 128 : index
    %swap3A_40 = tpu.vector_load %arg9[%swap3A_39] {strides = array<i32>} : memref<192xf32, #tpu.memory_space<vmem>>, vector<16xf32>,
    tpu.vector_store %arg9[%swap3A_39], %broadcast_in_dim3A_5 {strides = array<i32>} : memref<192xf32, #tpu.memory_space<vmem>>, vector<16xf32>,
    %swap3A_41 = arith.constant 144 : index
    %swap3A_42 = tpu.vector_load %arg8[%swap3A_41] {strides = array<i32>} : memref<192xi32, #tpu.memory_space<vmem>>, vector<16xi32>,
    tpu.vector_store %arg8[%swap3A_41], %broadcast_in_dim3A_3 {strides = array<i32>} : memref<192xi32, #tpu.memory_space<vmem>>, vector<16xi32>,
    %swap3A_43 = arith.constant 144 : index
    %swap3A_44 = tpu.vector_load %arg9[%swap3A_43] {strides = array<i32>} : memref<192xf32, #tpu.memory_space<vmem>>, vector<16xf32>,
    tpu.vector_store %arg9[%swap3A_43], %broadcast_in_dim3A_5 {strides = array<i32>} : memref<192xf32, #tpu.memory_space<vmem>>, vector<16xf32>,
    %swap3A_45 = arith.constant 160 : index
    %swap3A_46 = tpu.vector_load %arg8[%swap3A_45] {strides = array<i32>} : memref<192xi32, #tpu.memory_space<vmem>>, vector<16xi32>,
    tpu.vector_store %arg8[%swap3A_45], %broadcast_in_dim3A_3 {strides = array<i32>} : memref<192xi32, #tpu.memory_space<vmem>>, vector<16xi32>,
    %swap3A_47 = arith.constant 160 : index
    %swap3A_48 = tpu.vector_load %arg9[%swap3A_47] {strides = array<i32>} : memref<192xf32, #tpu.memory_space<vmem>>, vector<16xf32>,
    tpu.vector_store %arg9[%swap3A_47], %broadcast_in_dim3A_5 {strides = array<i32>} : memref<192xf32, #tpu.memory_space<vmem>>, vector<16xf32>,
    %swap3A_49 = arith.constant 176 : index
    %swap3A_50 = tpu.vector_load %arg8[%swap3A_49] {strides = array<i32>} : memref<192xi32, #tpu.memory_space<vmem>>, vector<16xi32>,
    tpu.vector_store %arg8[%swap3A_49], %broadcast_in_dim3A_3 {strides = array<i32>} : memref<192xi32, #tpu.memory_space<vmem>>, vector<16xi32>,
    %swap3A_51 = arith.constant 176 : index
    %swap3A_52 = tpu.vector_load %arg9[%swap3A_51] {strides = array<i32>} : memref<192xf32, #tpu.memory_space<vmem>>, vector<16xf32>,
    tpu.vector_store %arg9[%swap3A_51], %broadcast_in_dim3A_5 {strides = array<i32>} : memref<192xf32, #tpu.memory_space<vmem>>, vector<16xf32>,
    %scan3A = arith.constant 0 : i32
    %scan3A_53 = arith.constant 0 : i32
    %scan3A_54 = arith.constant 256 : i32
    %scan3A_55 = arith.addi %scan3A_53, %scan3A_54 : i32
    %scan3A_56 = arith.constant 1 : i32
    scf.for %scan3A_58 = %scan3A_53 to %scan3A_55 step %scan3A_56  : i32 {
      %mul3A_59 = arith.constant 16 : i32
      %mul3A_60 = arith.muli %scan3A_58, %mul3A_59 : i32
      %get3A = arith.index_cast %mul3A_60 : i32 to index
      %get3A_61 = tpu.vector_load %arg6[%get3A] {strides = array<i32>} : memref<4096xi32, #tpu.memory_space<vmem>>, vector<16xi32>,
      %get3A_62 = arith.index_cast %mul3A_60 : i32 to index
      %get3A_63 = tpu.vector_load %arg7[%get3A_62] {strides = array<i32>} : memref<4096xf32, #tpu.memory_space<vmem>>, vector<16xf32>,
      %iota3A = tpu.iota {dimensions = array<i32: 0>} : vector<16xi32>
      %add3A_64 = vector.broadcast %mul3A_60 : i32 to vector<16xi32>
      %add3A_65 = arith.addi %iota3A, %add3A_64 : vector<16xi32>
      %and3A = arith.constant 2047 : i32
      %and3A_66 = vector.broadcast %and3A : i32 to vector<16xi32>
      %and3A_67 = arith.andi %add3A_65, %and3A_66 : vector<16xi32>
      %ge3A = vector.broadcast %mul3A_2 : i32 to vector<16xi32>
      %ge3A_68 = arith.cmpi sge, %get3A_61, %ge3A : vector<16xi32>
      %add3A_69 = arith.constant 192 : i32
      %add3A_70 = arith.addi %mul3A_2, %add3A_69 : i32
      %lt3A = vector.broadcast %add3A_70 : i32 to vector<16xi32>
      %lt3A_71 = arith.cmpi slt, %get3A_61, %lt3A : vector<16xi32>
      %and3A_72 = arith.andi %ge3A_68, %lt3A_71 : vector<16xi1>
      %sub3A = vector.broadcast %mul3A_2 : i32 to vector<16xi32>
      %sub3A_73 = arith.subi %get3A_61, %sub3A : vector<16xi32>
      %jit3A = arith.constant 0 : i32
      %jit3A_74 = arith.constant 191 : i32
      %max3A = vector.broadcast %jit3A : i32 to vector<16xi32>
      %max3A_75 = arith.maxsi %max3A, %sub3A_73 : vector<16xi32>
      %min3A = vector.broadcast %jit3A_74 : i32 to vector<16xi32>
      %min3A_76 = arith.minsi %min3A, %max3A_75 : vector<16xi32>
      tpu.vector_store_idx %arg9[%min3A_76], %get3A_63 masked %and3A_72 : memref<192xf32, #tpu.memory_space<vmem>>[vector<16xi32>], vector<16xf32>, vector<16xi1>
      tpu.vector_store_idx %arg8[%min3A_76], %and3A_67 masked %and3A_72 : memref<192xi32, #tpu.memory_space<vmem>>[vector<16xi32>], vector<16xi32>, vector<16xi1>
    }
    %scan3A_57 = arith.constant 256 : i32
    "tpu.region"() ({
      %run_scoped3A = tpu.sem_alloc : memref<!tpu.dma_semaphore, #tpu.memory_space<semaphore_mem>>
      %dma_start3A = tpu.memref_slice %arg4[%mul3A_2] : memref<6144xi32, #tpu.memory_space<hbm>> -> memref<192xi32, #tpu.memory_space<hbm>>
      %dma_start3A_58 = tpu.memref_slice %arg4[%mul3A_2] : memref<6144xi32, #tpu.memory_space<hbm>> -> memref<192xi32, #tpu.memory_space<hbm>>
      tpu.enqueue_dma source(%arg8 : memref<192xi32, #tpu.memory_space<vmem>>) target(%dma_start3A_58 : memref<192xi32, #tpu.memory_space<hbm>>) target_semaphore(%run_scoped3A : memref<!tpu.dma_semaphore, #tpu.memory_space<semaphore_mem>>)
      %dma_wait3A = tpu.memref_slice %arg4[%mul3A_2] : memref<6144xi32, #tpu.memory_space<hbm>> -> memref<192xi32, #tpu.memory_space<hbm>>
      %dma_wait3A_59 = tpu.memref_slice %arg4[%mul3A_2] : memref<6144xi32, #tpu.memory_space<hbm>> -> memref<192xi32, #tpu.memory_space<hbm>>
      tpu.wait_dma2 semaphore(%run_scoped3A : memref<!tpu.dma_semaphore, #tpu.memory_space<semaphore_mem>>) src(%arg8 : memref<192xi32, #tpu.memory_space<vmem>>) dst(%dma_wait3A_59 : memref<192xi32, #tpu.memory_space<hbm>>)
      tpu.yield
    }) : () -> ()
    "tpu.region"() ({
      %run_scoped3A = tpu.sem_alloc : memref<!tpu.dma_semaphore, #tpu.memory_space<semaphore_mem>>
      %dma_start3A = tpu.memref_slice %arg5[%mul3A_2] : memref<6144xf32, #tpu.memory_space<hbm>> -> memref<192xf32, #tpu.memory_space<hbm>>
      %dma_start3A_58 = tpu.memref_slice %arg5[%mul3A_2] : memref<6144xf32, #tpu.memory_space<hbm>> -> memref<192xf32, #tpu.memory_space<hbm>>
      tpu.enqueue_dma source(%arg9 : memref<192xf32, #tpu.memory_space<vmem>>) target(%dma_start3A_58 : memref<192xf32, #tpu.memory_space<hbm>>) target_semaphore(%run_scoped3A : memref<!tpu.dma_semaphore, #tpu.memory_space<semaphore_mem>>)
      %dma_wait3A = tpu.memref_slice %arg5[%mul3A_2] : memref<6144xf32, #tpu.memory_space<hbm>> -> memref<192xf32, #tpu.memory_space<hbm>>
      %dma_wait3A_59 = tpu.memref_slice %arg5[%mul3A_2] : memref<6144xf32, #tpu.memory_space<hbm>> -> memref<192xf32, #tpu.memory_space<hbm>>
      tpu.wait_dma2 semaphore(%run_scoped3A : memref<!tpu.dma_semaphore, #tpu.memory_space<semaphore_mem>>) src(%arg9 : memref<192xf32, #tpu.memory_space<vmem>>) dst(%dma_wait3A_59 : memref<192xf32, #tpu.memory_space<hbm>>)
      tpu.yield
    }) : () -> ()
    return
  }
}

module attributes {stable_mosaic.version = 14 : i64} {
  func.func @_router_kernel(%arg0: i32, %arg1: memref<2048x1024xf32, #tpu.memory_space<vmem>>, %arg2: memref<8x1024xf32, #tpu.memory_space<vmem>>, %arg3: memref<2048x2xi32, #tpu.memory_space<vmem>>, %arg4: memref<2048x2xf32, #tpu.memory_space<vmem>>, %arg5: memref<1x24xi32, #tpu.memory_space<vmem>>) attributes {dimension_semantics = [#tpu.dimension_semantics<arbitrary>], iteration_bounds = array<i64: 1>, scalar_prefetch = 0 : i64, scratch_operands = 0 : i64, tpu.core_type = #tpu.core_type<tc>, window_params = [{pipeline_mode = #tpu.pipeline_mode<synchronous>, transform_indices = @transform_0, window_bounds = array<i64: 2048, 1024>}, {pipeline_mode = #tpu.pipeline_mode<synchronous>, transform_indices = @transform_1, window_bounds = array<i64: 8, 1024>}, {pipeline_mode = #tpu.pipeline_mode<synchronous>, transform_indices = @transform_2, window_bounds = array<i64: 2048, 2>}, {pipeline_mode = #tpu.pipeline_mode<synchronous>, transform_indices = @transform_3, window_bounds = array<i64: 2048, 2>}, {pipeline_mode = #tpu.pipeline_mode<synchronous>, transform_indices = @transform_4, window_bounds = array<i64: 1, 24>}]} {
    %get3A = arith.constant 0 : index
    %get3A_0 = arith.constant 0 : index
    %get3A_1 = vector.load %arg1[%get3A, %get3A_0] : memref<2048x1024xf32, #tpu.memory_space<vmem>>, vector<2048x1024xf32>
    %get3A_2 = arith.constant 0 : index
    %get3A_3 = arith.constant 0 : index
    %get3A_4 = vector.load %arg2[%get3A_2, %get3A_3] : memref<8x1024xf32, #tpu.memory_space<vmem>>, vector<8x1024xf32>
    %dot_general3A = arith.constant dense<0.000000e+00> : vector<2048x8xf32>
    %dot_general3A_5 = tpu.matmul %get3A_1, %get3A_4, %dot_general3A {dimension_numbers = #tpu.dot_dimension_numbers<[1], [1], [0], [0], [0, 0, 1, 0], [], []>, transpose_lhs_hint = false} : vector<2048x1024xf32>, vector<8x1024xf32>, vector<2048x8xf32> -> vector<2048x8xf32>
    %iota3A = tpu.iota {dimensions = array<i32: 1>} : vector<2048x8xi32>
    %reduce_max3A = arith.constant dense<0xFF800000> : vector<2048xf32>
    %reduce_max3A_6 = vector.multi_reduction <maximumf>, %dot_general3A_5, %reduce_max3A [1] : vector<2048x8xf32> to vector<2048xf32>
    %broadcast_in_dim3A = vector.shape_cast %reduce_max3A_6 : vector<2048xf32> to vector<2048x1xf32>
    %eq3A = vector.broadcast %broadcast_in_dim3A : vector<2048x1xf32> to vector<2048x8xf32>
    %eq3A_7 = arith.cmpf oeq, %dot_general3A_5, %eq3A : vector<2048x8xf32>
    %jit3A = arith.constant 8 : i32
    %broadcast_in_dim3A_8 = vector.broadcast %jit3A : i32 to vector<2048x8xi32>
    %select_n3A = arith.select %eq3A_7, %iota3A, %broadcast_in_dim3A_8 : vector<2048x8xi1>, vector<2048x8xi32>
    %reduce_min3A = arith.constant dense<2147483647> : vector<2048xi32>
    %reduce_min3A_9 = vector.multi_reduction <minsi>, %select_n3A, %reduce_min3A [1] : vector<2048x8xi32> to vector<2048xi32>
    %broadcast_in_dim3A_10 = vector.shape_cast %reduce_min3A_9 : vector<2048xi32> to vector<2048x1xi32>
    %eq3A_11 = vector.broadcast %broadcast_in_dim3A_10 : vector<2048x1xi32> to vector<2048x8xi32>
    %eq3A_12 = arith.cmpi eq, %iota3A, %eq3A_11 : vector<2048x8xi32>
    %jit3A_13 = arith.constant 0xFF800000 : f32
    %broadcast_in_dim3A_14 = vector.broadcast %jit3A_13 : f32 to vector<2048x8xf32>
    %select_n3A_15 = arith.select %eq3A_12, %broadcast_in_dim3A_14, %dot_general3A_5 : vector<2048x8xi1>, vector<2048x8xf32>
    %reduce_max3A_16 = arith.constant dense<0xFF800000> : vector<2048xf32>
    %reduce_max3A_17 = vector.multi_reduction <maximumf>, %select_n3A_15, %reduce_max3A_16 [1] : vector<2048x8xf32> to vector<2048xf32>
    %broadcast_in_dim3A_18 = vector.shape_cast %reduce_max3A_17 : vector<2048xf32> to vector<2048x1xf32>
    %eq3A_19 = vector.broadcast %broadcast_in_dim3A_18 : vector<2048x1xf32> to vector<2048x8xf32>
    %eq3A_20 = arith.cmpf oeq, %select_n3A_15, %eq3A_19 : vector<2048x8xf32>
    %jit3A_21 = arith.constant 8 : i32
    %broadcast_in_dim3A_22 = vector.broadcast %jit3A_21 : i32 to vector<2048x8xi32>
    %select_n3A_23 = arith.select %eq3A_20, %iota3A, %broadcast_in_dim3A_22 : vector<2048x8xi1>, vector<2048x8xi32>
    %reduce_min3A_24 = arith.constant dense<2147483647> : vector<2048xi32>
    %reduce_min3A_25 = vector.multi_reduction <minsi>, %select_n3A_23, %reduce_min3A_24 [1] : vector<2048x8xi32> to vector<2048xi32>
    %broadcast_in_dim3A_26 = vector.shape_cast %reduce_min3A_25 : vector<2048xi32> to vector<2048x1xi32>
    %sub3A = arith.subf %broadcast_in_dim3A_18, %broadcast_in_dim3A : vector<2048x1xf32>
    %exp3A = math.exp %sub3A : vector<2048x1xf32>
    %add3A = arith.constant 1.000000e+00 : f32
    %add3A_27 = vector.broadcast %add3A : f32 to vector<2048x1xf32>
    %add3A_28 = arith.addf %add3A_27, %exp3A : vector<2048x1xf32>
    %div3A = arith.constant 1.000000e+00 : f32
    %div3A_29 = vector.broadcast %div3A : f32 to vector<2048x1xf32>
    %div3A_30 = arith.divf %div3A_29, %add3A_28 : vector<2048x1xf32>
    %add3A_31 = arith.constant 1.000000e+00 : f32
    %add3A_32 = vector.broadcast %add3A_31 : f32 to vector<2048x1xf32>
    %add3A_33 = arith.addf %add3A_32, %exp3A : vector<2048x1xf32>
    %div3A_34 = arith.divf %exp3A, %add3A_33 : vector<2048x1xf32>
    %eq3A_35 = vector.broadcast %broadcast_in_dim3A_10 : vector<2048x1xi32> to vector<2048x8xi32>
    %eq3A_36 = arith.cmpi eq, %iota3A, %eq3A_35 : vector<2048x8xi32>
    %convert_element_type3A = arith.extui %eq3A_36 : vector<2048x8xi1> to vector<2048x8xi32>
    %convert_element_type3A_37 = arith.sitofp %convert_element_type3A : vector<2048x8xi32> to vector<2048x8xf32>
    %eq3A_38 = vector.broadcast %broadcast_in_dim3A_26 : vector<2048x1xi32> to vector<2048x8xi32>
    %eq3A_39 = arith.cmpi eq, %iota3A, %eq3A_38 : vector<2048x8xi32>
    %convert_element_type3A_40 = arith.extui %eq3A_39 : vector<2048x8xi1> to vector<2048x8xi32>
    %convert_element_type3A_41 = arith.sitofp %convert_element_type3A_40 : vector<2048x8xi32> to vector<2048x8xf32>
    %iota3A_42 = tpu.iota {dimensions = array<i32: 0>} : vector<512x512xi32>
    %iota3A_43 = tpu.iota {dimensions = array<i32: 1>} : vector<512x512xi32>
    %gt3A = arith.cmpi sgt, %iota3A_42, %iota3A_43 : vector<512x512xi32>
    %convert_element_type3A_44 = arith.extui %gt3A : vector<512x512xi1> to vector<512x512xi32>
    %convert_element_type3A_45 = arith.sitofp %convert_element_type3A_44 : vector<512x512xi32> to vector<512x512xf32>
    %broadcast_in_dim3A_46 = arith.constant 0.000000e+00 : f32
    %broadcast_in_dim3A_47 = vector.broadcast %broadcast_in_dim3A_46 : f32 to vector<1x8xf32>
    %slice3A = vector.extract_strided_slice %convert_element_type3A_37 {offsets = [0, 0], sizes = [512, 8], strides = [1, 1]} : vector<2048x8xf32> to vector<512x8xf32>
    %dot_general3A_48 = arith.constant dense<0.000000e+00> : vector<512x8xf32>
    %dot_general3A_49 = tpu.matmul %convert_element_type3A_45, %slice3A, %dot_general3A_48 {dimension_numbers = #tpu.dot_dimension_numbers<[1], [0], [0], [1], [0, 0, 1, 1], [], []>, transpose_lhs_hint = false} : vector<512x512xf32>, vector<512x8xf32>, vector<512x8xf32> -> vector<512x8xf32>
    %add3A_50 = vector.broadcast %broadcast_in_dim3A_47 : vector<1x8xf32> to vector<512x8xf32>
    %add3A_51 = arith.addf %dot_general3A_49, %add3A_50 : vector<512x8xf32>
    %reduce_sum3A = arith.constant dense<0.000000e+00> : vector<8xf32>
    %reduce_sum3A_52 = vector.multi_reduction <add>, %slice3A, %reduce_sum3A [0] : vector<512x8xf32> to vector<8xf32>
    %broadcast_in_dim3A_53 = vector.shape_cast %reduce_sum3A_52 : vector<8xf32> to vector<1x8xf32>
    %add3A_54 = arith.addf %broadcast_in_dim3A_47, %broadcast_in_dim3A_53 : vector<1x8xf32>
    %slice3A_55 = vector.extract_strided_slice %convert_element_type3A_37 {offsets = [512, 0], sizes = [512, 8], strides = [1, 1]} : vector<2048x8xf32> to vector<512x8xf32>
    %dot_general3A_56 = arith.constant dense<0.000000e+00> : vector<512x8xf32>
    %dot_general3A_57 = tpu.matmul %convert_element_type3A_45, %slice3A_55, %dot_general3A_56 {dimension_numbers = #tpu.dot_dimension_numbers<[1], [0], [0], [1], [0, 0, 1, 1], [], []>, transpose_lhs_hint = false} : vector<512x512xf32>, vector<512x8xf32>, vector<512x8xf32> -> vector<512x8xf32>
    %add3A_58 = vector.broadcast %add3A_54 : vector<1x8xf32> to vector<512x8xf32>
    %add3A_59 = arith.addf %dot_general3A_57, %add3A_58 : vector<512x8xf32>
    %reduce_sum3A_60 = arith.constant dense<0.000000e+00> : vector<8xf32>
    %reduce_sum3A_61 = vector.multi_reduction <add>, %slice3A_55, %reduce_sum3A_60 [0] : vector<512x8xf32> to vector<8xf32>
    %broadcast_in_dim3A_62 = vector.shape_cast %reduce_sum3A_61 : vector<8xf32> to vector<1x8xf32>
    %add3A_63 = arith.addf %add3A_54, %broadcast_in_dim3A_62 : vector<1x8xf32>
    %slice3A_64 = vector.extract_strided_slice %convert_element_type3A_37 {offsets = [1024, 0], sizes = [512, 8], strides = [1, 1]} : vector<2048x8xf32> to vector<512x8xf32>
    %dot_general3A_65 = arith.constant dense<0.000000e+00> : vector<512x8xf32>
    %dot_general3A_66 = tpu.matmul %convert_element_type3A_45, %slice3A_64, %dot_general3A_65 {dimension_numbers = #tpu.dot_dimension_numbers<[1], [0], [0], [1], [0, 0, 1, 1], [], []>, transpose_lhs_hint = false} : vector<512x512xf32>, vector<512x8xf32>, vector<512x8xf32> -> vector<512x8xf32>
    %add3A_67 = vector.broadcast %add3A_63 : vector<1x8xf32> to vector<512x8xf32>
    %add3A_68 = arith.addf %dot_general3A_66, %add3A_67 : vector<512x8xf32>
    %reduce_sum3A_69 = arith.constant dense<0.000000e+00> : vector<8xf32>
    %reduce_sum3A_70 = vector.multi_reduction <add>, %slice3A_64, %reduce_sum3A_69 [0] : vector<512x8xf32> to vector<8xf32>
    %broadcast_in_dim3A_71 = vector.shape_cast %reduce_sum3A_70 : vector<8xf32> to vector<1x8xf32>
    %add3A_72 = arith.addf %add3A_63, %broadcast_in_dim3A_71 : vector<1x8xf32>
    %slice3A_73 = vector.extract_strided_slice %convert_element_type3A_37 {offsets = [1536, 0], sizes = [512, 8], strides = [1, 1]} : vector<2048x8xf32> to vector<512x8xf32>
    %dot_general3A_74 = arith.constant dense<0.000000e+00> : vector<512x8xf32>
    %dot_general3A_75 = tpu.matmul %convert_element_type3A_45, %slice3A_73, %dot_general3A_74 {dimension_numbers = #tpu.dot_dimension_numbers<[1], [0], [0], [1], [0, 0, 1, 1], [], []>, transpose_lhs_hint = false} : vector<512x512xf32>, vector<512x8xf32>, vector<512x8xf32> -> vector<512x8xf32>
    %add3A_76 = vector.broadcast %add3A_72 : vector<1x8xf32> to vector<512x8xf32>
    %add3A_77 = arith.addf %dot_general3A_75, %add3A_76 : vector<512x8xf32>
    %reduce_sum3A_78 = arith.constant dense<0.000000e+00> : vector<8xf32>
    %reduce_sum3A_79 = vector.multi_reduction <add>, %slice3A_73, %reduce_sum3A_78 [0] : vector<512x8xf32> to vector<8xf32>
    %broadcast_in_dim3A_80 = vector.shape_cast %reduce_sum3A_79 : vector<8xf32> to vector<1x8xf32>
    %add3A_81 = arith.addf %add3A_72, %broadcast_in_dim3A_80 : vector<1x8xf32>
    %slice3A_82 = vector.extract_strided_slice %convert_element_type3A_41 {offsets = [0, 0], sizes = [512, 8], strides = [1, 1]} : vector<2048x8xf32> to vector<512x8xf32>
    %dot_general3A_83 = arith.constant dense<0.000000e+00> : vector<512x8xf32>
    %dot_general3A_84 = tpu.matmul %convert_element_type3A_45, %slice3A_82, %dot_general3A_83 {dimension_numbers = #tpu.dot_dimension_numbers<[1], [0], [0], [1], [0, 0, 1, 1], [], []>, transpose_lhs_hint = false} : vector<512x512xf32>, vector<512x8xf32>, vector<512x8xf32> -> vector<512x8xf32>
    %add3A_85 = vector.broadcast %add3A_81 : vector<1x8xf32> to vector<512x8xf32>
    %add3A_86 = arith.addf %dot_general3A_84, %add3A_85 : vector<512x8xf32>
    %reduce_sum3A_87 = arith.constant dense<0.000000e+00> : vector<8xf32>
    %reduce_sum3A_88 = vector.multi_reduction <add>, %slice3A_82, %reduce_sum3A_87 [0] : vector<512x8xf32> to vector<8xf32>
    %broadcast_in_dim3A_89 = vector.shape_cast %reduce_sum3A_88 : vector<8xf32> to vector<1x8xf32>
    %add3A_90 = arith.addf %add3A_81, %broadcast_in_dim3A_89 : vector<1x8xf32>
    %slice3A_91 = vector.extract_strided_slice %convert_element_type3A_41 {offsets = [512, 0], sizes = [512, 8], strides = [1, 1]} : vector<2048x8xf32> to vector<512x8xf32>
    %dot_general3A_92 = arith.constant dense<0.000000e+00> : vector<512x8xf32>
    %dot_general3A_93 = tpu.matmul %convert_element_type3A_45, %slice3A_91, %dot_general3A_92 {dimension_numbers = #tpu.dot_dimension_numbers<[1], [0], [0], [1], [0, 0, 1, 1], [], []>, transpose_lhs_hint = false} : vector<512x512xf32>, vector<512x8xf32>, vector<512x8xf32> -> vector<512x8xf32>
    %add3A_94 = vector.broadcast %add3A_90 : vector<1x8xf32> to vector<512x8xf32>
    %add3A_95 = arith.addf %dot_general3A_93, %add3A_94 : vector<512x8xf32>
    %reduce_sum3A_96 = arith.constant dense<0.000000e+00> : vector<8xf32>
    %reduce_sum3A_97 = vector.multi_reduction <add>, %slice3A_91, %reduce_sum3A_96 [0] : vector<512x8xf32> to vector<8xf32>
    %broadcast_in_dim3A_98 = vector.shape_cast %reduce_sum3A_97 : vector<8xf32> to vector<1x8xf32>
    %add3A_99 = arith.addf %add3A_90, %broadcast_in_dim3A_98 : vector<1x8xf32>
    %slice3A_100 = vector.extract_strided_slice %convert_element_type3A_41 {offsets = [1024, 0], sizes = [512, 8], strides = [1, 1]} : vector<2048x8xf32> to vector<512x8xf32>
    %dot_general3A_101 = arith.constant dense<0.000000e+00> : vector<512x8xf32>
    %dot_general3A_102 = tpu.matmul %convert_element_type3A_45, %slice3A_100, %dot_general3A_101 {dimension_numbers = #tpu.dot_dimension_numbers<[1], [0], [0], [1], [0, 0, 1, 1], [], []>, transpose_lhs_hint = false} : vector<512x512xf32>, vector<512x8xf32>, vector<512x8xf32> -> vector<512x8xf32>
    %add3A_103 = vector.broadcast %add3A_99 : vector<1x8xf32> to vector<512x8xf32>
    %add3A_104 = arith.addf %dot_general3A_102, %add3A_103 : vector<512x8xf32>
    %reduce_sum3A_105 = arith.constant dense<0.000000e+00> : vector<8xf32>
    %reduce_sum3A_106 = vector.multi_reduction <add>, %slice3A_100, %reduce_sum3A_105 [0] : vector<512x8xf32> to vector<8xf32>
    %broadcast_in_dim3A_107 = vector.shape_cast %reduce_sum3A_106 : vector<8xf32> to vector<1x8xf32>
    %add3A_108 = arith.addf %add3A_99, %broadcast_in_dim3A_107 : vector<1x8xf32>
    %slice3A_109 = vector.extract_strided_slice %convert_element_type3A_41 {offsets = [1536, 0], sizes = [512, 8], strides = [1, 1]} : vector<2048x8xf32> to vector<512x8xf32>
    %dot_general3A_110 = arith.constant dense<0.000000e+00> : vector<512x8xf32>
    %dot_general3A_111 = tpu.matmul %convert_element_type3A_45, %slice3A_109, %dot_general3A_110 {dimension_numbers = #tpu.dot_dimension_numbers<[1], [0], [0], [1], [0, 0, 1, 1], [], []>, transpose_lhs_hint = false} : vector<512x512xf32>, vector<512x8xf32>, vector<512x8xf32> -> vector<512x8xf32>
    %add3A_112 = vector.broadcast %add3A_108 : vector<1x8xf32> to vector<512x8xf32>
    %add3A_113 = arith.addf %dot_general3A_111, %add3A_112 : vector<512x8xf32>
    %reduce_sum3A_114 = arith.constant dense<0.000000e+00> : vector<8xf32>
    %reduce_sum3A_115 = vector.multi_reduction <add>, %slice3A_109, %reduce_sum3A_114 [0] : vector<512x8xf32> to vector<8xf32>
    %broadcast_in_dim3A_116 = vector.shape_cast %reduce_sum3A_115 : vector<8xf32> to vector<1x8xf32>
    %add3A_117 = arith.addf %add3A_108, %broadcast_in_dim3A_116 : vector<1x8xf32>
    %concatenate3A = tpu.concatenate %add3A_51, %add3A_59, %add3A_68, %add3A_77 in 0 : vector<512x8xf32>, vector<512x8xf32>, vector<512x8xf32>, vector<512x8xf32> -> vector<2048x8xf32>
    %concatenate3A_118 = tpu.concatenate %add3A_86, %add3A_95, %add3A_104, %add3A_113 in 0 : vector<512x8xf32>, vector<512x8xf32>, vector<512x8xf32>, vector<512x8xf32> -> vector<2048x8xf32>
    %div3A_119 = arith.constant 2.560000e+02 : f32
    %div3A_120 = vector.broadcast %div3A_119 : f32 to vector<1x8xf32>
    %div3A_121 = arith.divf %add3A_117, %div3A_120 : vector<1x8xf32>
    %ceil3A = math.ceil %div3A_121 : vector<1x8xf32>
    %mul3A = arith.constant 2.560000e+02 : f32
    %mul3A_122 = vector.broadcast %mul3A : f32 to vector<1x8xf32>
    %mul3A_123 = arith.mulf %ceil3A, %mul3A_122 : vector<1x8xf32>
    %iota3A_124 = tpu.iota {dimensions = array<i32: 0>} : vector<8x8xi32>
    %iota3A_125 = tpu.iota {dimensions = array<i32: 1>} : vector<8x8xi32>
    %lt3A = arith.cmpi slt, %iota3A_124, %iota3A_125 : vector<8x8xi32>
    %convert_element_type3A_126 = arith.extui %lt3A : vector<8x8xi1> to vector<8x8xi32>
    %convert_element_type3A_127 = arith.sitofp %convert_element_type3A_126 : vector<8x8xi32> to vector<8x8xf32>
    %dot_general3A_128 = arith.constant dense<0.000000e+00> : vector<1x8xf32>
    %dot_general3A_129 = tpu.matmul %mul3A_123, %convert_element_type3A_127, %dot_general3A_128 {dimension_numbers = #tpu.dot_dimension_numbers<[1], [0], [0], [1], [0, 0, 1, 1], [], []>, transpose_lhs_hint = false} : vector<1x8xf32>, vector<8x8xf32>, vector<1x8xf32> -> vector<1x8xf32>
    %add3A_130 = arith.addf %dot_general3A_129, %mul3A_123 : vector<1x8xf32>
    %eq3A_131 = vector.broadcast %broadcast_in_dim3A_10 : vector<2048x1xi32> to vector<2048x8xi32>
    %eq3A_132 = arith.cmpi eq, %iota3A, %eq3A_131 : vector<2048x8xi32>
    %add3A_133 = vector.broadcast %dot_general3A_129 : vector<1x8xf32> to vector<2048x8xf32>
    %add3A_134 = arith.addf %concatenate3A, %add3A_133 : vector<2048x8xf32>
    %jit3A_135 = arith.constant 0.000000e+00 : f32
    %broadcast_in_dim3A_136 = vector.broadcast %jit3A_135 : f32 to vector<2048x8xf32>
    %select_n3A_137 = arith.select %eq3A_132, %add3A_134, %broadcast_in_dim3A_136 : vector<2048x8xi1>, vector<2048x8xf32>
    %reduce_sum3A_138 = arith.constant dense<0.000000e+00> : vector<2048xf32>
    %reduce_sum3A_139 = vector.multi_reduction <add>, %select_n3A_137, %reduce_sum3A_138 [1] : vector<2048x8xf32> to vector<2048xf32>
    %broadcast_in_dim3A_140 = vector.shape_cast %reduce_sum3A_139 : vector<2048xf32> to vector<2048x1xf32>
    %eq3A_141 = vector.broadcast %broadcast_in_dim3A_26 : vector<2048x1xi32> to vector<2048x8xi32>
    %eq3A_142 = arith.cmpi eq, %iota3A, %eq3A_141 : vector<2048x8xi32>
    %add3A_143 = vector.broadcast %dot_general3A_129 : vector<1x8xf32> to vector<2048x8xf32>
    %add3A_144 = arith.addf %concatenate3A_118, %add3A_143 : vector<2048x8xf32>
    %jit3A_145 = arith.constant 0.000000e+00 : f32
    %broadcast_in_dim3A_146 = vector.broadcast %jit3A_145 : f32 to vector<2048x8xf32>
    %select_n3A_147 = arith.select %eq3A_142, %add3A_144, %broadcast_in_dim3A_146 : vector<2048x8xi1>, vector<2048x8xf32>
    %reduce_sum3A_148 = arith.constant dense<0.000000e+00> : vector<2048xf32>
    %reduce_sum3A_149 = vector.multi_reduction <add>, %select_n3A_147, %reduce_sum3A_148 [1] : vector<2048x8xf32> to vector<2048xf32>
    %broadcast_in_dim3A_150 = vector.shape_cast %reduce_sum3A_149 : vector<2048xf32> to vector<2048x1xf32>
    %concatenate3A_151 = tpu.concatenate %broadcast_in_dim3A_140, %broadcast_in_dim3A_150 in 1 : vector<2048x1xf32>, vector<2048x1xf32> -> vector<2048x2xf32>
    %convert_element_type3A_152 = arith.fptosi %concatenate3A_151 : vector<2048x2xf32> to vector<2048x2xi32>
    %swap3A = arith.constant 0 : index
    %swap3A_153 = arith.constant 0 : index
    %swap3A_154 = vector.load %arg3[%swap3A, %swap3A_153] : memref<2048x2xi32, #tpu.memory_space<vmem>>, vector<2048x2xi32>
    tpu.vector_store %arg3[%swap3A, %swap3A_153], %convert_element_type3A_152 {strides = array<i32>} : memref<2048x2xi32, #tpu.memory_space<vmem>>, vector<2048x2xi32>,
    %concatenate3A_155 = tpu.concatenate %div3A_30, %div3A_34 in 1 : vector<2048x1xf32>, vector<2048x1xf32> -> vector<2048x2xf32>
    %swap3A_156 = arith.constant 0 : index
    %swap3A_157 = arith.constant 0 : index
    %swap3A_158 = vector.load %arg4[%swap3A_156, %swap3A_157] : memref<2048x2xf32, #tpu.memory_space<vmem>>, vector<2048x2xf32>
    tpu.vector_store %arg4[%swap3A_156, %swap3A_157], %concatenate3A_155 {strides = array<i32>} : memref<2048x2xf32, #tpu.memory_space<vmem>>, vector<2048x2xf32>,
    %iota3A_159 = tpu.iota {dimensions = array<i32: 1>} : vector<1x24xi32>
    %mul3A_160 = arith.constant 256 : i32
    %mul3A_161 = vector.broadcast %mul3A_160 : i32 to vector<1x24xi32>
    %mul3A_162 = arith.muli %iota3A_159, %mul3A_161 : vector<1x24xi32>
    %convert_element_type3A_163 = arith.sitofp %mul3A_162 : vector<1x24xi32> to vector<1x24xf32>
    %broadcast_in_dim3A_164 = arith.constant 0.000000e+00 : f32
    %broadcast_in_dim3A_165 = vector.broadcast %broadcast_in_dim3A_164 : f32 to vector<1x24xf32>
    %slice3A_166 = vector.extract_strided_slice %add3A_130 {offsets = [0, 0], sizes = [1, 1], strides = [1, 1]} : vector<1x8xf32> to vector<1x1xf32>
    %ge3A = vector.broadcast %slice3A_166 : vector<1x1xf32> to vector<1x24xf32>
    %ge3A_167 = arith.cmpf oge, %convert_element_type3A_163, %ge3A : vector<1x24xf32>
    %convert_element_type3A_168 = arith.extui %ge3A_167 : vector<1x24xi1> to vector<1x24xi32>
    %convert_element_type3A_169 = arith.sitofp %convert_element_type3A_168 : vector<1x24xi32> to vector<1x24xf32>
    %add3A_170 = arith.addf %broadcast_in_dim3A_165, %convert_element_type3A_169 : vector<1x24xf32>
    %slice3A_171 = vector.extract_strided_slice %add3A_130 {offsets = [0, 1], sizes = [1, 1], strides = [1, 1]} : vector<1x8xf32> to vector<1x1xf32>
    %ge3A_172 = vector.broadcast %slice3A_171 : vector<1x1xf32> to vector<1x24xf32>
    %ge3A_173 = arith.cmpf oge, %convert_element_type3A_163, %ge3A_172 : vector<1x24xf32>
    %convert_element_type3A_174 = arith.extui %ge3A_173 : vector<1x24xi1> to vector<1x24xi32>
    %convert_element_type3A_175 = arith.sitofp %convert_element_type3A_174 : vector<1x24xi32> to vector<1x24xf32>
    %add3A_176 = arith.addf %add3A_170, %convert_element_type3A_175 : vector<1x24xf32>
    %slice3A_177 = vector.extract_strided_slice %add3A_130 {offsets = [0, 2], sizes = [1, 1], strides = [1, 1]} : vector<1x8xf32> to vector<1x1xf32>
    %ge3A_178 = vector.broadcast %slice3A_177 : vector<1x1xf32> to vector<1x24xf32>
    %ge3A_179 = arith.cmpf oge, %convert_element_type3A_163, %ge3A_178 : vector<1x24xf32>
    %convert_element_type3A_180 = arith.extui %ge3A_179 : vector<1x24xi1> to vector<1x24xi32>
    %convert_element_type3A_181 = arith.sitofp %convert_element_type3A_180 : vector<1x24xi32> to vector<1x24xf32>
    %add3A_182 = arith.addf %add3A_176, %convert_element_type3A_181 : vector<1x24xf32>
    %slice3A_183 = vector.extract_strided_slice %add3A_130 {offsets = [0, 3], sizes = [1, 1], strides = [1, 1]} : vector<1x8xf32> to vector<1x1xf32>
    %ge3A_184 = vector.broadcast %slice3A_183 : vector<1x1xf32> to vector<1x24xf32>
    %ge3A_185 = arith.cmpf oge, %convert_element_type3A_163, %ge3A_184 : vector<1x24xf32>
    %convert_element_type3A_186 = arith.extui %ge3A_185 : vector<1x24xi1> to vector<1x24xi32>
    %convert_element_type3A_187 = arith.sitofp %convert_element_type3A_186 : vector<1x24xi32> to vector<1x24xf32>
    %add3A_188 = arith.addf %add3A_182, %convert_element_type3A_187 : vector<1x24xf32>
    %slice3A_189 = vector.extract_strided_slice %add3A_130 {offsets = [0, 4], sizes = [1, 1], strides = [1, 1]} : vector<1x8xf32> to vector<1x1xf32>
    %ge3A_190 = vector.broadcast %slice3A_189 : vector<1x1xf32> to vector<1x24xf32>
    %ge3A_191 = arith.cmpf oge, %convert_element_type3A_163, %ge3A_190 : vector<1x24xf32>
    %convert_element_type3A_192 = arith.extui %ge3A_191 : vector<1x24xi1> to vector<1x24xi32>
    %convert_element_type3A_193 = arith.sitofp %convert_element_type3A_192 : vector<1x24xi32> to vector<1x24xf32>
    %add3A_194 = arith.addf %add3A_188, %convert_element_type3A_193 : vector<1x24xf32>
    %slice3A_195 = vector.extract_strided_slice %add3A_130 {offsets = [0, 5], sizes = [1, 1], strides = [1, 1]} : vector<1x8xf32> to vector<1x1xf32>
    %ge3A_196 = vector.broadcast %slice3A_195 : vector<1x1xf32> to vector<1x24xf32>
    %ge3A_197 = arith.cmpf oge, %convert_element_type3A_163, %ge3A_196 : vector<1x24xf32>
    %convert_element_type3A_198 = arith.extui %ge3A_197 : vector<1x24xi1> to vector<1x24xi32>
    %convert_element_type3A_199 = arith.sitofp %convert_element_type3A_198 : vector<1x24xi32> to vector<1x24xf32>
    %add3A_200 = arith.addf %add3A_194, %convert_element_type3A_199 : vector<1x24xf32>
    %slice3A_201 = vector.extract_strided_slice %add3A_130 {offsets = [0, 6], sizes = [1, 1], strides = [1, 1]} : vector<1x8xf32> to vector<1x1xf32>
    %ge3A_202 = vector.broadcast %slice3A_201 : vector<1x1xf32> to vector<1x24xf32>
    %ge3A_203 = arith.cmpf oge, %convert_element_type3A_163, %ge3A_202 : vector<1x24xf32>
    %convert_element_type3A_204 = arith.extui %ge3A_203 : vector<1x24xi1> to vector<1x24xi32>
    %convert_element_type3A_205 = arith.sitofp %convert_element_type3A_204 : vector<1x24xi32> to vector<1x24xf32>
    %add3A_206 = arith.addf %add3A_200, %convert_element_type3A_205 : vector<1x24xf32>
    %slice3A_207 = vector.extract_strided_slice %add3A_130 {offsets = [0, 7], sizes = [1, 1], strides = [1, 1]} : vector<1x8xf32> to vector<1x1xf32>
    %ge3A_208 = vector.broadcast %slice3A_207 : vector<1x1xf32> to vector<1x24xf32>
    %ge3A_209 = arith.cmpf oge, %convert_element_type3A_163, %ge3A_208 : vector<1x24xf32>
    %convert_element_type3A_210 = arith.extui %ge3A_209 : vector<1x24xi1> to vector<1x24xi32>
    %convert_element_type3A_211 = arith.sitofp %convert_element_type3A_210 : vector<1x24xi32> to vector<1x24xf32>
    %add3A_212 = arith.addf %add3A_206, %convert_element_type3A_211 : vector<1x24xf32>
    %min3A = arith.constant 7.000000e+00 : f32
    %min3A_213 = vector.broadcast %min3A : f32 to vector<1x24xf32>
    %min3A_214 = arith.minimumf %add3A_212, %min3A_213 : vector<1x24xf32>
    %convert_element_type3A_215 = arith.fptosi %min3A_214 : vector<1x24xf32> to vector<1x24xi32>
    %swap3A_216 = arith.constant 0 : index
    %swap3A_217 = arith.constant 0 : index
    %swap3A_218 = vector.load %arg5[%swap3A_216, %swap3A_217] : memref<1x24xi32, #tpu.memory_space<vmem>>, vector<1x24xi32>
    tpu.vector_store %arg5[%swap3A_216, %swap3A_217], %convert_element_type3A_215 {strides = array<i32>} : memref<1x24xi32, #tpu.memory_space<vmem>>, vector<1x24xi32>,
    return
  }
  func.func @transform_0(%arg0: i32) -> (i32, i32) {
    %c0_i32 = arith.constant 0 : i32
    %c0_i32_0 = arith.constant 0 : i32
    %c0_i32_1 = arith.constant 0 : i32
    return %c0_i32, %c0_i32_0 : i32, i32
  }
  func.func @transform_1(%arg0: i32) -> (i32, i32) {
    %c0_i32 = arith.constant 0 : i32
    %c0_i32_0 = arith.constant 0 : i32
    %c0_i32_1 = arith.constant 0 : i32
    return %c0_i32, %c0_i32_0 : i32, i32
  }
  func.func @transform_2(%arg0: i32) -> (i32, i32) {
    %c0_i32 = arith.constant 0 : i32
    %c0_i32_0 = arith.constant 0 : i32
    %c0_i32_1 = arith.constant 0 : i32
    return %c0_i32, %c0_i32_0 : i32, i32
  }
  func.func @transform_3(%arg0: i32) -> (i32, i32) {
    %c0_i32 = arith.constant 0 : i32
    %c0_i32_0 = arith.constant 0 : i32
    %c0_i32_1 = arith.constant 0 : i32
    return %c0_i32, %c0_i32_0 : i32, i32
  }
  func.func @transform_4(%arg0: i32) -> (i32, i32) {
    %c0_i32 = arith.constant 0 : i32
    %c0_i32_0 = arith.constant 0 : i32
    %c0_i32_1 = arith.constant 0 : i32
    return %c0_i32, %c0_i32_0 : i32, i32
  }
}

module attributes {stable_mosaic.version = 14 : i64} {
  func.func @_fused_kernel(%arg0: i32, %arg1: memref<24xi32, #tpu.memory_space<smem>>, %arg2: memref<2048x1024xbf16, #tpu.memory_space<vmem>>, %arg3: memref<1x1x256xi32, #tpu.memory_space<vmem>>, %arg4: memref<1x1x256xf32, #tpu.memory_space<vmem>>, %arg5: memref<1x2048x1024xf32, #tpu.memory_space<vmem>>, %arg6: memref<1x2048x1024xf32, #tpu.memory_space<vmem>>, %arg7: memref<1x1024x2048xf32, #tpu.memory_space<vmem>>, %arg8: memref<2048x1024xf32, #tpu.memory_space<vmem>>) attributes {dimension_semantics = [#tpu.dimension_semantics<arbitrary>], iteration_bounds = array<i64: 24>, scalar_prefetch = 1 : i64, scratch_operands = 0 : i64, tpu.core_type = #tpu.core_type<tc>, window_params = [{pipeline_mode = #tpu.pipeline_mode<synchronous>, transform_indices = @transform_0, window_bounds = array<i64: 2048, 1024>}, {transform_indices = @transform_1, window_bounds = array<i64: 1, 1, 256>}, {transform_indices = @transform_2, window_bounds = array<i64: 1, 1, 256>}, {transform_indices = @transform_3, window_bounds = array<i64: 1, 2048, 1024>}, {transform_indices = @transform_4, window_bounds = array<i64: 1, 2048, 1024>}, {transform_indices = @transform_5, window_bounds = array<i64: 1, 1024, 2048>}, {pipeline_mode = #tpu.pipeline_mode<synchronous>, transform_indices = @transform_6, window_bounds = array<i64: 2048, 1024>}]} {
    %eq3A = arith.constant 0 : i32
    %eq3A_0 = arith.cmpi eq, %arg0, %eq3A : i32
    %convert_element_type3A = arith.extui %eq3A_0 : i1 to i32
    %cond3A = arith.constant 0 : i32
    %cond3A_1 = arith.cmpi ne, %convert_element_type3A, %cond3A : i32
    scf.if %cond3A_1 {
      %broadcast_in_dim3A = arith.constant 0.000000e+00 : f32
      %broadcast_in_dim3A_148 = vector.broadcast %broadcast_in_dim3A : f32 to vector<2048x1024xf32>
      %swap3A_149 = arith.constant 0 : index
      %swap3A_150 = arith.constant 0 : index
      %swap3A_151 = vector.load %arg8[%swap3A_149, %swap3A_150] : memref<2048x1024xf32, #tpu.memory_space<vmem>>, vector<2048x1024xf32>
      tpu.vector_store %arg8[%swap3A_149, %swap3A_150], %broadcast_in_dim3A_148 {strides = array<i32>} : memref<2048x1024xf32, #tpu.memory_space<vmem>>, vector<2048x1024xf32>,
    } else {
    }
    %iota3A = tpu.iota {dimensions = array<i32: 0>} : vector<2048x256xi32>
    %get3A = arith.constant 0 : index
    %get3A_2 = arith.constant 0 : index
    %get3A_3 = arith.constant 0 : index
    %get3A_4 = vector.load %arg3[%get3A, %get3A_2, %get3A_3] : memref<1x1x256xi32, #tpu.memory_space<vmem>>, vector<1x1x256xi32>
    %get3A_5 = vector.shape_cast %get3A_4 : vector<1x1x256xi32> to vector<1x256xi32>
    %eq3A_6 = vector.broadcast %get3A_5 : vector<1x256xi32> to vector<2048x256xi32>
    %eq3A_7 = arith.cmpi eq, %iota3A, %eq3A_6 : vector<2048x256xi32>
    %convert_element_type3A_8 = arith.extui %eq3A_7 : vector<2048x256xi1> to vector<2048x256xi32>
    %convert_element_type3A_9 = arith.sitofp %convert_element_type3A_8 : vector<2048x256xi32> to vector<2048x256xf32>
    %convert_element_type3A_10 = arith.truncf %convert_element_type3A_9 : vector<2048x256xf32> to vector<2048x256xbf16>
    %get3A_11 = arith.constant 0 : index
    %get3A_12 = arith.constant 0 : index
    %get3A_13 = vector.load %arg2[%get3A_11, %get3A_12] : memref<2048x1024xbf16, #tpu.memory_space<vmem>>, vector<2048x1024xbf16>
    %dot_general3A = arith.constant dense<0.000000e+00> : vector<256x1024xf32>
    %dot_general3A_14 = tpu.matmul %convert_element_type3A_10, %get3A_13, %dot_general3A {dimension_numbers = #tpu.dot_dimension_numbers<[0], [0], [1], [1], [0, 1, 1, 1], [], []>, transpose_lhs_hint = false} : vector<2048x256xbf16>, vector<2048x1024xbf16>, vector<256x1024xf32> -> vector<256x1024xf32>
    %get3A_15 = arith.constant 0 : index
    %get3A_16 = arith.constant 0 : index
    %get3A_17 = arith.constant 0 : index
    %get3A_18 = vector.load %arg5[%get3A_15, %get3A_16, %get3A_17] : memref<1x2048x1024xf32, #tpu.memory_space<vmem>>, vector<1x512x1024xf32>
    %get3A_19 = vector.shape_cast %get3A_18 : vector<1x512x1024xf32> to vector<512x1024xf32>
    %dot_general3A_20 = arith.constant dense<0.000000e+00> : vector<256x512xf32>
    %dot_general3A_21 = tpu.matmul %dot_general3A_14, %get3A_19, %dot_general3A_20 {dimension_numbers = #tpu.dot_dimension_numbers<[1], [1], [0], [0], [0, 0, 1, 0], [], []>, transpose_lhs_hint = false} : vector<256x1024xf32>, vector<512x1024xf32>, vector<256x512xf32> -> vector<256x512xf32>
    %get3A_22 = arith.constant 0 : index
    %get3A_23 = arith.constant 0 : index
    %get3A_24 = arith.constant 0 : index
    %get3A_25 = vector.load %arg6[%get3A_22, %get3A_23, %get3A_24] : memref<1x2048x1024xf32, #tpu.memory_space<vmem>>, vector<1x512x1024xf32>
    %get3A_26 = vector.shape_cast %get3A_25 : vector<1x512x1024xf32> to vector<512x1024xf32>
    %dot_general3A_27 = arith.constant dense<0.000000e+00> : vector<256x512xf32>
    %dot_general3A_28 = tpu.matmul %dot_general3A_14, %get3A_26, %dot_general3A_27 {dimension_numbers = #tpu.dot_dimension_numbers<[1], [1], [0], [0], [0, 0, 1, 0], [], []>, transpose_lhs_hint = false} : vector<256x1024xf32>, vector<512x1024xf32>, vector<256x512xf32> -> vector<256x512xf32>
    %logistic3A = arith.negf %dot_general3A_21 : vector<256x512xf32>
    %logistic3A_29 = math.exp %logistic3A : vector<256x512xf32>
    %logistic3A_30 = arith.constant 1.000000e+00 : f32
    %logistic3A_31 = vector.broadcast %logistic3A_30 : f32 to vector<256x512xf32>
    %logistic3A_32 = arith.addf %logistic3A_31, %logistic3A_29 : vector<256x512xf32>
    %logistic3A_33 = arith.divf %logistic3A_31, %logistic3A_32 : vector<256x512xf32>
    %mul3A = arith.mulf %dot_general3A_21, %logistic3A_33 : vector<256x512xf32>
    %mul3A_34 = arith.mulf %mul3A, %dot_general3A_28 : vector<256x512xf32>
    %get3A_35 = arith.constant 0 : index
    %get3A_36 = arith.constant 0 : index
    %get3A_37 = arith.constant 0 : index
    %get3A_38 = vector.load %arg7[%get3A_35, %get3A_36, %get3A_37] : memref<1x1024x2048xf32, #tpu.memory_space<vmem>>, vector<1x1024x512xf32>
    %get3A_39 = vector.shape_cast %get3A_38 : vector<1x1024x512xf32> to vector<1024x512xf32>
    %dot_general3A_40 = arith.constant dense<0.000000e+00> : vector<256x1024xf32>
    %dot_general3A_41 = tpu.matmul %mul3A_34, %get3A_39, %dot_general3A_40 {dimension_numbers = #tpu.dot_dimension_numbers<[1], [1], [0], [0], [0, 0, 1, 0], [], []>, transpose_lhs_hint = false} : vector<256x512xf32>, vector<1024x512xf32>, vector<256x1024xf32> -> vector<256x1024xf32>
    %get3A_42 = arith.constant 0 : index
    %get3A_43 = arith.constant 512 : index
    %get3A_44 = arith.constant 0 : index
    %get3A_45 = vector.load %arg5[%get3A_42, %get3A_43, %get3A_44] : memref<1x2048x1024xf32, #tpu.memory_space<vmem>>, vector<1x512x1024xf32>
    %get3A_46 = vector.shape_cast %get3A_45 : vector<1x512x1024xf32> to vector<512x1024xf32>
    %dot_general3A_47 = arith.constant dense<0.000000e+00> : vector<256x512xf32>
    %dot_general3A_48 = tpu.matmul %dot_general3A_14, %get3A_46, %dot_general3A_47 {dimension_numbers = #tpu.dot_dimension_numbers<[1], [1], [0], [0], [0, 0, 1, 0], [], []>, transpose_lhs_hint = false} : vector<256x1024xf32>, vector<512x1024xf32>, vector<256x512xf32> -> vector<256x512xf32>
    %get3A_49 = arith.constant 0 : index
    %get3A_50 = arith.constant 512 : index
    %get3A_51 = arith.constant 0 : index
    %get3A_52 = vector.load %arg6[%get3A_49, %get3A_50, %get3A_51] : memref<1x2048x1024xf32, #tpu.memory_space<vmem>>, vector<1x512x1024xf32>
    %get3A_53 = vector.shape_cast %get3A_52 : vector<1x512x1024xf32> to vector<512x1024xf32>
    %dot_general3A_54 = arith.constant dense<0.000000e+00> : vector<256x512xf32>
    %dot_general3A_55 = tpu.matmul %dot_general3A_14, %get3A_53, %dot_general3A_54 {dimension_numbers = #tpu.dot_dimension_numbers<[1], [1], [0], [0], [0, 0, 1, 0], [], []>, transpose_lhs_hint = false} : vector<256x1024xf32>, vector<512x1024xf32>, vector<256x512xf32> -> vector<256x512xf32>
    %logistic3A_56 = arith.negf %dot_general3A_48 : vector<256x512xf32>
    %logistic3A_57 = math.exp %logistic3A_56 : vector<256x512xf32>
    %logistic3A_58 = arith.constant 1.000000e+00 : f32
    %logistic3A_59 = vector.broadcast %logistic3A_58 : f32 to vector<256x512xf32>
    %logistic3A_60 = arith.addf %logistic3A_59, %logistic3A_57 : vector<256x512xf32>
    %logistic3A_61 = arith.divf %logistic3A_59, %logistic3A_60 : vector<256x512xf32>
    %mul3A_62 = arith.mulf %dot_general3A_48, %logistic3A_61 : vector<256x512xf32>
    %mul3A_63 = arith.mulf %mul3A_62, %dot_general3A_55 : vector<256x512xf32>
    %get3A_64 = arith.constant 0 : index
    %get3A_65 = arith.constant 0 : index
    %get3A_66 = arith.constant 512 : index
    %get3A_67 = vector.load %arg7[%get3A_64, %get3A_65, %get3A_66] : memref<1x1024x2048xf32, #tpu.memory_space<vmem>>, vector<1x1024x512xf32>
    %get3A_68 = vector.shape_cast %get3A_67 : vector<1x1024x512xf32> to vector<1024x512xf32>
    %dot_general3A_69 = arith.constant dense<0.000000e+00> : vector<256x1024xf32>
    %dot_general3A_70 = tpu.matmul %mul3A_63, %get3A_68, %dot_general3A_69 {dimension_numbers = #tpu.dot_dimension_numbers<[1], [1], [0], [0], [0, 0, 1, 0], [], []>, transpose_lhs_hint = false} : vector<256x512xf32>, vector<1024x512xf32>, vector<256x1024xf32> -> vector<256x1024xf32>
    %add3A = arith.addf %dot_general3A_41, %dot_general3A_70 : vector<256x1024xf32>
    %get3A_71 = arith.constant 0 : index
    %get3A_72 = arith.constant 1024 : index
    %get3A_73 = arith.constant 0 : index
    %get3A_74 = vector.load %arg5[%get3A_71, %get3A_72, %get3A_73] : memref<1x2048x1024xf32, #tpu.memory_space<vmem>>, vector<1x512x1024xf32>
    %get3A_75 = vector.shape_cast %get3A_74 : vector<1x512x1024xf32> to vector<512x1024xf32>
    %dot_general3A_76 = arith.constant dense<0.000000e+00> : vector<256x512xf32>
    %dot_general3A_77 = tpu.matmul %dot_general3A_14, %get3A_75, %dot_general3A_76 {dimension_numbers = #tpu.dot_dimension_numbers<[1], [1], [0], [0], [0, 0, 1, 0], [], []>, transpose_lhs_hint = false} : vector<256x1024xf32>, vector<512x1024xf32>, vector<256x512xf32> -> vector<256x512xf32>
    %get3A_78 = arith.constant 0 : index
    %get3A_79 = arith.constant 1024 : index
    %get3A_80 = arith.constant 0 : index
    %get3A_81 = vector.load %arg6[%get3A_78, %get3A_79, %get3A_80] : memref<1x2048x1024xf32, #tpu.memory_space<vmem>>, vector<1x512x1024xf32>
    %get3A_82 = vector.shape_cast %get3A_81 : vector<1x512x1024xf32> to vector<512x1024xf32>
    %dot_general3A_83 = arith.constant dense<0.000000e+00> : vector<256x512xf32>
    %dot_general3A_84 = tpu.matmul %dot_general3A_14, %get3A_82, %dot_general3A_83 {dimension_numbers = #tpu.dot_dimension_numbers<[1], [1], [0], [0], [0, 0, 1, 0], [], []>, transpose_lhs_hint = false} : vector<256x1024xf32>, vector<512x1024xf32>, vector<256x512xf32> -> vector<256x512xf32>
    %logistic3A_85 = arith.negf %dot_general3A_77 : vector<256x512xf32>
    %logistic3A_86 = math.exp %logistic3A_85 : vector<256x512xf32>
    %logistic3A_87 = arith.constant 1.000000e+00 : f32
    %logistic3A_88 = vector.broadcast %logistic3A_87 : f32 to vector<256x512xf32>
    %logistic3A_89 = arith.addf %logistic3A_88, %logistic3A_86 : vector<256x512xf32>
    %logistic3A_90 = arith.divf %logistic3A_88, %logistic3A_89 : vector<256x512xf32>
    %mul3A_91 = arith.mulf %dot_general3A_77, %logistic3A_90 : vector<256x512xf32>
    %mul3A_92 = arith.mulf %mul3A_91, %dot_general3A_84 : vector<256x512xf32>
    %get3A_93 = arith.constant 0 : index
    %get3A_94 = arith.constant 0 : index
    %get3A_95 = arith.constant 1024 : index
    %get3A_96 = vector.load %arg7[%get3A_93, %get3A_94, %get3A_95] : memref<1x1024x2048xf32, #tpu.memory_space<vmem>>, vector<1x1024x512xf32>
    %get3A_97 = vector.shape_cast %get3A_96 : vector<1x1024x512xf32> to vector<1024x512xf32>
    %dot_general3A_98 = arith.constant dense<0.000000e+00> : vector<256x1024xf32>
    %dot_general3A_99 = tpu.matmul %mul3A_92, %get3A_97, %dot_general3A_98 {dimension_numbers = #tpu.dot_dimension_numbers<[1], [1], [0], [0], [0, 0, 1, 0], [], []>, transpose_lhs_hint = false} : vector<256x512xf32>, vector<1024x512xf32>, vector<256x1024xf32> -> vector<256x1024xf32>
    %add3A_100 = arith.addf %add3A, %dot_general3A_99 : vector<256x1024xf32>
    %get3A_101 = arith.constant 0 : index
    %get3A_102 = arith.constant 1536 : index
    %get3A_103 = arith.constant 0 : index
    %get3A_104 = vector.load %arg5[%get3A_101, %get3A_102, %get3A_103] : memref<1x2048x1024xf32, #tpu.memory_space<vmem>>, vector<1x512x1024xf32>
    %get3A_105 = vector.shape_cast %get3A_104 : vector<1x512x1024xf32> to vector<512x1024xf32>
    %dot_general3A_106 = arith.constant dense<0.000000e+00> : vector<256x512xf32>
    %dot_general3A_107 = tpu.matmul %dot_general3A_14, %get3A_105, %dot_general3A_106 {dimension_numbers = #tpu.dot_dimension_numbers<[1], [1], [0], [0], [0, 0, 1, 0], [], []>, transpose_lhs_hint = false} : vector<256x1024xf32>, vector<512x1024xf32>, vector<256x512xf32> -> vector<256x512xf32>
    %get3A_108 = arith.constant 0 : index
    %get3A_109 = arith.constant 1536 : index
    %get3A_110 = arith.constant 0 : index
    %get3A_111 = vector.load %arg6[%get3A_108, %get3A_109, %get3A_110] : memref<1x2048x1024xf32, #tpu.memory_space<vmem>>, vector<1x512x1024xf32>
    %get3A_112 = vector.shape_cast %get3A_111 : vector<1x512x1024xf32> to vector<512x1024xf32>
    %dot_general3A_113 = arith.constant dense<0.000000e+00> : vector<256x512xf32>
    %dot_general3A_114 = tpu.matmul %dot_general3A_14, %get3A_112, %dot_general3A_113 {dimension_numbers = #tpu.dot_dimension_numbers<[1], [1], [0], [0], [0, 0, 1, 0], [], []>, transpose_lhs_hint = false} : vector<256x1024xf32>, vector<512x1024xf32>, vector<256x512xf32> -> vector<256x512xf32>
    %logistic3A_115 = arith.negf %dot_general3A_107 : vector<256x512xf32>
    %logistic3A_116 = math.exp %logistic3A_115 : vector<256x512xf32>
    %logistic3A_117 = arith.constant 1.000000e+00 : f32
    %logistic3A_118 = vector.broadcast %logistic3A_117 : f32 to vector<256x512xf32>
    %logistic3A_119 = arith.addf %logistic3A_118, %logistic3A_116 : vector<256x512xf32>
    %logistic3A_120 = arith.divf %logistic3A_118, %logistic3A_119 : vector<256x512xf32>
    %mul3A_121 = arith.mulf %dot_general3A_107, %logistic3A_120 : vector<256x512xf32>
    %mul3A_122 = arith.mulf %mul3A_121, %dot_general3A_114 : vector<256x512xf32>
    %get3A_123 = arith.constant 0 : index
    %get3A_124 = arith.constant 0 : index
    %get3A_125 = arith.constant 1536 : index
    %get3A_126 = vector.load %arg7[%get3A_123, %get3A_124, %get3A_125] : memref<1x1024x2048xf32, #tpu.memory_space<vmem>>, vector<1x1024x512xf32>
    %get3A_127 = vector.shape_cast %get3A_126 : vector<1x1024x512xf32> to vector<1024x512xf32>
    %dot_general3A_128 = arith.constant dense<0.000000e+00> : vector<256x1024xf32>
    %dot_general3A_129 = tpu.matmul %mul3A_122, %get3A_127, %dot_general3A_128 {dimension_numbers = #tpu.dot_dimension_numbers<[1], [1], [0], [0], [0, 0, 1, 0], [], []>, transpose_lhs_hint = false} : vector<256x512xf32>, vector<1024x512xf32>, vector<256x1024xf32> -> vector<256x1024xf32>
    %add3A_130 = arith.addf %add3A_100, %dot_general3A_129 : vector<256x1024xf32>
    %get3A_131 = arith.constant 0 : index
    %get3A_132 = arith.constant 0 : index
    %get3A_133 = arith.constant 0 : index
    %get3A_134 = vector.load %arg4[%get3A_131, %get3A_132, %get3A_133] : memref<1x1x256xf32, #tpu.memory_space<vmem>>, vector<1x1x256xf32>
    %get3A_135 = vector.shape_cast %get3A_134 : vector<1x1x256xf32> to vector<1x256xf32>
    %convert_element_type3A_136 = arith.truncf %get3A_135 : vector<1x256xf32> to vector<1x256xbf16>
    %mul3A_137 = vector.broadcast %convert_element_type3A_136 : vector<1x256xbf16> to vector<2048x256xbf16>
    %mul3A_138 = arith.mulf %convert_element_type3A_10, %mul3A_137 : vector<2048x256xbf16>
    %get3A_139 = arith.constant 0 : index
    %get3A_140 = arith.constant 0 : index
    %get3A_141 = vector.load %arg8[%get3A_139, %get3A_140] : memref<2048x1024xf32, #tpu.memory_space<vmem>>, vector<2048x1024xf32>
    %convert_element_type3A_142 = arith.truncf %add3A_130 : vector<256x1024xf32> to vector<256x1024xbf16>
    %dot_general3A_143 = arith.constant dense<0.000000e+00> : vector<2048x1024xf32>
    %dot_general3A_144 = tpu.matmul %mul3A_138, %convert_element_type3A_142, %dot_general3A_143 {dimension_numbers = #tpu.dot_dimension_numbers<[1], [0], [0], [1], [0, 0, 1, 1], [], []>, transpose_lhs_hint = false} : vector<2048x256xbf16>, vector<256x1024xbf16>, vector<2048x1024xf32> -> vector<2048x1024xf32>
    %add3A_145 = arith.addf %get3A_141, %dot_general3A_144 : vector<2048x1024xf32>
    %swap3A = arith.constant 0 : index
    %swap3A_146 = arith.constant 0 : index
    %swap3A_147 = vector.load %arg8[%swap3A, %swap3A_146] : memref<2048x1024xf32, #tpu.memory_space<vmem>>, vector<2048x1024xf32>
    tpu.vector_store %arg8[%swap3A, %swap3A_146], %add3A_145 {strides = array<i32>} : memref<2048x1024xf32, #tpu.memory_space<vmem>>, vector<2048x1024xf32>,
    return
  }
  func.func @transform_0(%arg0: i32, %arg1: memref<24xi32, #tpu.memory_space<smem>>) -> (i32, i32) {
    %c0_i32 = arith.constant 0 : i32
    %c0_i32_0 = arith.constant 0 : i32
    %c0_i32_1 = arith.constant 0 : i32
    return %c0_i32, %c0_i32_0 : i32, i32
  }
  func.func @transform_1(%arg0: i32, %arg1: memref<24xi32, #tpu.memory_space<smem>>) -> (i32, i32, i32) {
    %c0_i32 = arith.constant 0 : i32
    %c0_i32_0 = arith.constant 0 : i32
    %c0_i32_1 = arith.constant 0 : i32
    return %arg0, %c0_i32, %c0_i32_0 : i32, i32, i32
  }
  func.func @transform_2(%arg0: i32, %arg1: memref<24xi32, #tpu.memory_space<smem>>) -> (i32, i32, i32) {
    %c0_i32 = arith.constant 0 : i32
    %c0_i32_0 = arith.constant 0 : i32
    %c0_i32_1 = arith.constant 0 : i32
    return %arg0, %c0_i32, %c0_i32_0 : i32, i32, i32
  }
  func.func @transform_3(%arg0: i32, %arg1: memref<24xi32, #tpu.memory_space<smem>>) -> (i32, i32, i32) {
    %get3A = arith.index_cast %arg0 : i32 to index
    %get3A_0 = memref.load %arg1[%get3A] : memref<24xi32, #tpu.memory_space<smem>>
    %c0_i32 = arith.constant 0 : i32
    %c0_i32_1 = arith.constant 0 : i32
    %c0_i32_2 = arith.constant 0 : i32
    return %get3A_0, %c0_i32, %c0_i32_1 : i32, i32, i32
  }
  func.func @transform_4(%arg0: i32, %arg1: memref<24xi32, #tpu.memory_space<smem>>) -> (i32, i32, i32) {
    %get3A = arith.index_cast %arg0 : i32 to index
    %get3A_0 = memref.load %arg1[%get3A] : memref<24xi32, #tpu.memory_space<smem>>
    %c0_i32 = arith.constant 0 : i32
    %c0_i32_1 = arith.constant 0 : i32
    %c0_i32_2 = arith.constant 0 : i32
    return %get3A_0, %c0_i32, %c0_i32_1 : i32, i32, i32
  }
  func.func @transform_5(%arg0: i32, %arg1: memref<24xi32, #tpu.memory_space<smem>>) -> (i32, i32, i32) {
    %get3A = arith.index_cast %arg0 : i32 to index
    %get3A_0 = memref.load %arg1[%get3A] : memref<24xi32, #tpu.memory_space<smem>>
    %c0_i32 = arith.constant 0 : i32
    %c0_i32_1 = arith.constant 0 : i32
    %c0_i32_2 = arith.constant 0 : i32
    return %get3A_0, %c0_i32, %c0_i32_1 : i32, i32, i32
  }
  func.func @transform_6(%arg0: i32, %arg1: memref<24xi32, #tpu.memory_space<smem>>) -> (i32, i32) {
    %c0_i32 = arith.constant 0 : i32
    %c0_i32_0 = arith.constant 0 : i32
    %c0_i32_1 = arith.constant 0 : i32
    return %c0_i32, %c0_i32_0 : i32, i32
  }
}

</mosaic_0001>

<sc_bundles>
// kernel: kernel.5.cloned.1.call-start
scs
__scs_entry_jumppad:
0x0: {  	(pc) =	sbr.rel $0x88, $3  }
0x1: {  	(tag) =	ssettag $0x0;
	lr =	simm.s32 $0x1  }
0x2: {  	[smem:$0x3F9C] =	sst lr;
	_ =	strace $0xD0000000  }
0x3: {  	_ = 	snop  }
0x4: {  	_ = 	snop  }
0x5: {  	_ = 	snop  }
0x6: {  	_ = 	snop  }
0x7: {  	_ = 	snop  }
__scs_overlays_trampoline_lowered:
0x8: {  	[smem:$0x3FAB] =	sst s0  }
0x9: {  	[smem:$0x3FAC] =	sst s1  }
0xa: {  	[smem:$0x3FAD] =	sst s2  }
0xb: {  	[smem:$0x3FAE] =	sst s3  }
0xc: {  	[smem:$0x3FAF] =	sst s4  }
0xd: {  	[smem:$0x3FB0] =	sst s5  }
0xe: {  	[smem:$0x3FB1] =	sst s6  }
0xf: {  	[smem:$0x3FB2] =	sst s7  }
0x10: {  	[smem:$0x3FB3] =	sst s8  }
0x11: {  	[smem:$0x3FB4] =	sst s9;
	s0 =	simm.s32 @!p0 $0x0  }
0x12: {  	s1 =	sld [smem:$0x3F9A];
	s0 =	simm.s32 @p0 $0x1  }
0x13: {  	[smem:$0x3FB5] =	sst s0;
	s0 =	simm.s32 @!p1 $0x0  }
0x14: {  	s2 =	sld [smem:$0x3F99];
	s0 =	simm.s32 @p1 $0x1  }
0x15: {  	[smem:$0x3FB6] =	sst s0;
	s0 =	simm.s32 @!p2 $0x0  }
0x16: {  	s3 =	sld [smem:$0x3FDB];
	s0 =	simm.s32 @p2 $0x1  }
0x17: {  	s4 =	simm.s32 $0x1BF5;
	[smem:$0x3FB8] =	sst s0  }
0x18: {  	s0 =	sld [smem:$0x3F9B];
	_ =	swait.ge [sflag:s4], $0x0  }
0x19: {  	s7 =	sld [smem:$0x3F9C]  }
0x1a: {  	s8 =	sadd.s32 $0xFFFFE003, lr  }
0x1b: {  	s9 =	sadd.s32 $0xFFFFFEF7, lr;
	s5 =	simm.s32 $0xFFFFFFFF;
	p2 =	slt.u32 s8, $0xFFFFF086  }
0x1c: {  	p1 =	slt.u32 s9, $0xF7A;
	s5 =	simm.s32 @!p2 $0x0  }
0x1d: {  	s5 =	simm.s32 @p1 $0x1;
	p0 =	seq.s32 s7, s2  }
0x1e: {  	s7 =	smul.u32 @!p0 $0xF7A, s2;
	p2 =	seq.s32 @!p0 s5, $0x0  }
0x1f: {  	s9 =	smul.u32 $0xF7A, s1;
	s8 =	simm.s32 @!p0 $0x1BF5;
	p2 =	por !p2, p0  }
0x20: {  	[sflag:s8] =	ssyncset.s32 @!p0 $0xFFFFF086;
	s6 =	sadd.s32 @!p0 s3, s7;
	s7 =	simm.s32 @!p0 $0x108  }
0x21: {  	s3 =	sadd.s32 s3, s9;
	s6 =	sadd.s32 @!p0 $0x88, s6;
	s7 =	simm.s32 @p2 $0x1082  }
0x22: {  	[simem:s7], [sflag:s8] =	dma.local @!p0 [hbm:s6], $0xF7A  }
0x23: {  	s9 =	sor.u32 $0xD0000000, s2;
	s6 =	simm.s32 $0x108;
	_ =	swait.ge @!p0 [sflag:s8], $0x0  }
0x24: {  	s3 =	sadd.s32 $0x88, s3;
	s6 =	simm.s32 @!p1 $0x1082;
	[sflag:s4] =	ssyncset.s32 $0xFFFFF086  }
0x25: {  	[simem:s6], [sflag:s4] =	dma.local [hbm:s3], $0xF7A  }
0x26: {  	[smem:$0x3F9C] =	sst s1;
	(tag) =	ssettag s2;
	_ =	strace s9  }
0x27: {  	s1 =	sld [smem:$0x3FAC]  }
0x28: {  	s2 =	sld [smem:$0x3FAD]  }
0x29: {  	s4 =	sld [smem:$0x3FAF]  }
0x2a: {  	p0 =	seq.s32 s5, $0x0;
	s5 =	sld [smem:$0x3FB0]  }
0x2b: {  	s6 =	sld [smem:$0x3FB1]  }
0x2c: {  	s7 =	sld [smem:$0x3FB2]  }
0x2d: {  	s3 =	simm.s32 $0x108;
	s8 =	sld [smem:$0x3FB3]  }
0x2e: {  	s3 =	simm.s32 @!p0 $0x1082;
	s9 =	sld [smem:$0x3FB4]  }
0x2f: {  	lr =	sadd.s32 s0, s3;
	s0 =	sld [smem:$0x3FAB]  }
0x30: {  	s3 =	sld [smem:$0x3FAE]  }
0x31: {  	[smem:$0x3FB7] =	sst s10  }
0x32: {  	s10 =	sld [smem:$0x3FB5];
	_ =	sdelay $0x3  }
0x33: {  	p0 =	seq.s32 s10, $0x1;
	s10 =	sld [smem:$0x3FB7];
	_ =	sdelay $0x3  }
0x34: {  	[smem:$0x3FB7] =	sst s10  }
0x35: {  	s10 =	sld [smem:$0x3FB6];
	_ =	sdelay $0x3  }
0x36: {  	p1 =	seq.s32 s10, $0x1;
	s10 =	sld [smem:$0x3FB7];
	_ =	sdelay $0x3  }
0x37: {  	[smem:$0x3FB7] =	sst s10  }
0x38: {  	s10 =	sld [smem:$0x3FB8]  }
0x39: {  	_ = 	snop;
	(pc) =	sbr.ind lr, $3  }
0x3a: {  	_ = 	snop  }
0x3b: {  	_ = 	snop  }
0x3c: {  	p2 =	seq.s32 s10, $0x1;
	s10 =	sld [smem:$0x3FB7]  }
0x3d: {  	_ =	shalt  }
0x3e: {  	_ =	shalt  }
0x3f: {  	_ =	shalt  }
0x40: {  	_ =	shalt  }
0x41: {  	_ =	shalt  }
0x42: {  	_ =	shalt  }
0x43: {  	_ =	shalt  }
0x44: {  	_ =	shalt  }
0x45: {  	_ =	shalt  }
0x46: {  	_ =	shalt  }
0x47: {  	_ =	shalt  }
0x48: {  	_ =	shalt  }
0x49: {  	_ =	shalt  }
0x4a: {  	_ =	shalt  }
0x4b: {  	_ =	shalt  }
0x4c: {  	_ =	shalt  }
0x4d: {  	_ =	shalt  }
0x4e: {  	_ =	shalt  }
0x4f: {  	_ =	shalt  }
0x50: {  	_ =	shalt  }
0x51: {  	_ =	shalt  }
0x52: {  	_ =	shalt  }
0x53: {  	_ =	shalt  }
0x54: {  	_ =	shalt  }
0x55: {  	_ =	shalt  }
0x56: {  	_ =	shalt  }
0x57: {  	_ =	shalt  }
0x58: {  	_ =	shalt  }
0x59: {  	_ =	shalt  }
0x5a: {  	_ =	shalt  }
0x5b: {  	_ =	shalt  }
0x5c: {  	_ =	shalt  }
0x5d: {  	_ =	shalt  }
0x5e: {  	_ =	shalt  }
0x5f: {  	_ =	shalt  }
0x60: {  	_ =	shalt  }
0x61: {  	_ =	shalt  }
0x62: {  	_ =	shalt  }
0x63: {  	_ =	shalt  }
0x64: {  	_ =	shalt  }
0x65: {  	_ =	shalt  }
0x66: {  	_ =	shalt  }
0x67: {  	_ =	shalt  }
0x68: {  	_ =	shalt  }
0x69: {  	_ =	shalt  }
0x6a: {  	_ =	shalt  }
0x6b: {  	_ =	shalt  }
0x6c: {  	_ =	shalt  }
0x6d: {  	_ =	shalt  }
0x6e: {  	_ =	shalt  }
0x6f: {  	_ =	shalt  }
0x70: {  	_ =	shalt  }
0x71: {  	_ =	shalt  }
0x72: {  	_ =	shalt  }
0x73: {  	_ =	shalt  }
0x74: {  	_ =	shalt  }
0x75: {  	_ =	shalt  }
0x76: {  	_ =	shalt  }
0x77: {  	_ =	shalt  }
0x78: {  	_ =	shalt  }
0x79: {  	_ =	shalt  }
0x7a: {  	_ =	shalt  }
0x7b: {  	_ =	shalt  }
0x7c: {  	_ =	shalt  }
0x7d: {  	_ =	shalt  }
0x7e: {  	_ =	shalt  }
0x7f: {  	_ =	shalt  }
0x80: {  	_ =	shalt  }
0x81: {  	_ =	shalt  }
0x82: {  	_ =	shalt  }
0x83: {  	_ =	shalt  }
0x84: {  	_ =	shalt  }
0x85: {  	_ =	shalt  }
0x86: {  	_ =	shalt  }
0x87: {  	_ =	shalt  }
.Lfunc_end0:
.L_simem_size_0:
called_computation_lowered:
.L_overlay_start_0:
0x88: {  	s2 =	sld [smem:$0x3FD9]  }
0x89: {  	s3 =	sld [smem:$0x3FFE];
	_ =	sdelay $0x1  }
0x8a: {  	s1 =	srdreg.scid  }
0x8b: {  	s0 =	sand.u32 $0x1, s1  }
0x8c: {  	s17 =	sshll.u32 s0, $0xA;
	s2 =	sadd.s32 s3, s2  }
0x8d: {  	s2 =	sadd.s32 s2, s17  }
0x8e: {  	[smem:$0x3FC3] =	sst s2  }
0x8f: {  	_ = 	snop  }
0x90: {  	s2 =	sld [smem:$0x3FD0];
	(tm) =	ssettm $0x1  }
0x91: {  	s18 =	sld [smem:$0x3FFB];
	_ =	sdelay $0x3  }
0x92: {  	_ =	strace s18  }
0x93: {  	s3 =	sld [smem:$0x3FFC];
	_ =	sdelay $0x3  }
0x94: {  	_ =	strace s3  }
0x95: {  	s3 =	sld [smem:$0x3FFD];
	_ =	sdelay $0x3  }
0x96: {  	_ =	strace s3  }
0x97: {  	_ =	strace $0x8FFFFFFF  }
0x98: {  	s19 =	sld [smem:$0x3FDB];
	_ =	sdelay $0x1  }
0x99: {  	s4 =	simm.s32 $_scs_section_size  }
0x9a: {  	s5 =	simm.s32 $_size__tile_overlayer_lowered;
	s6 =	simm.s32 $_tile_overlayer_lowered  }
0x9b: {  	s22 =	simm.s32 $0x1BFF;
	s21 =	sshll.u32 s6, $0x1;
	s3 =	sadd.s32 s4, s19  }
0x9c: {  	s7 =	simm.s32 $0x0;
	s20 =	sshll.u32 s5, $0x1;
	s5 =	sadd.s32 s21, s3  }
0x9d: {  	[timem:s7], [sflag:s22] =	dma.local [hbm:s5], s20  }
0x9e: {  	_ =	swait.ge [sflag:s22], s20  }
0x9f: {  	s4 =	ssub.s32 $0x0, s20;
	[sflag:s22] =	ssyncset.done $0x0  }
0xa0: {  	[sflag:s22] =	ssyncadd.s32 s4;
	_ =	sdelay $0x1  }
0xa1: {  	s23 =	simm.s32 $0x1B8B  }
0xa2: {  	_ =	swait.ge [sflag:s23], $0x1  }
0xa3: {  	[sflag:s23] =	ssyncset.done $0x0  }
0xa4: {  	s25 =	simm.s32 $0x1B8E;
	s24 =	sld [smem:$0x3FFE];
	[sflag:s23] =	ssyncadd.s32 $0xFFFFFFFF  }
0xa5: {  	s26 =	simm.s32 $execute0_lowered;
	[smem:$0x3FD2] =	sst s25  }
0xa6: {  	s5 =	sshll.u32 s26, $0x1;
	_ =	strace $0x80000046;
	[dreg:$0x1] =	wrdreg $0xFFFFFFFF  }
0xa7: {  	s28 =	simm.s32 $_size_execute0_lowered;
	s3 =	sadd.s32 s3, s5;
	[dreg:$0x0] =	wrdreg $0x0  }
0xa8: {  	s5 =	sshll.u32 s28, $0x1;
	[dreg:$0x2] =	wrdreg s3  }
0xa9: {  	[dreg:$0x3] =	wrdreg s5  }
0xaa: {  	[dreg:$0x4] =	wrdreg $0xC0  }
0xab: {  	_ =	task [dreg:s7], $0x5FFFF  }
0xac: {  	[dreg:$0x1] =	wrdreg $0xFFFFFFFF  }
0xad: {  	[dreg:$0x0] =	wrdreg $0x60  }
0xae: {  	[dreg:$0x2] =	wrdreg s2  }
0xaf: {  	[dreg:$0x3] =	wrdreg s24  }
0xb0: {  	[dreg:$0x4] =	wrdreg $0x9  }
0xb1: {  	_ =	task.clear_ibuf [dreg:s7], $0x5FFFF;
	_ =	strace $0x90000046  }
0xb2: {  	s29 =	simm.s32 $0x9;
	_ =	strace $0x80000048  }
0xb3: {  	_ =	swait.ge [sflag:s29], $0x1  }
0xb4: {  	[sflag:s29] =	ssyncadd.s32 $0xFFFFFFFF  }
0xb5: {  	_ =	strace $0x90000048  }
0xb6: {  	_ =	sfence  }
0xb7: {  	s30 =	sld [smem:$0x0];
	_ =	sdelay $0x2  }
0xb8: {  	s31 =	sshll.u32 s1, $0xD;
	s1 =	sshrl.u32 s1, $0x2  }
0xb9: {  	s3 =	sand.u32 $0x4000, s31;
	s1 =	sadd.s32 s1, s30  }
0xba: {  	s0 =	sor.u32 s3, s0;
	s1 =	sshll.u32 s1, $0x11  }
0xbb: {  	s0 =	sor.u32 s1, s0  }
0xbc: {  	s0 =	sadd.s32 $0x8F2B, s0  }
0xbd: {  	[sflag:s0] =	ssyncadd.remote.s32 $0x1  }
0xbe: {  	_ =	sfence.sel $0xFFFF  }
0xbf: {  	[dreg:$0x0] =	wrdreg $0xFFFFFFFF;
	(pc) =	sbr.abs _section_cstart, $3  }
0xc0: {  	[dreg:$0x1] =	wrdreg $0xFFFFFFFF  }
0xc1: {  	_ =	task.clear_ibuf [dreg:s7], $0x2FFFF;
	_ =	strace $0x9FFFFFFF  }
0xc2: {  	(tm) =	ssettm $0x7FFFFFFF  }
0xc3: {  	_ =	shalt  }
tec
execute0_lowered:
.L_overlay_start_1:
0x0: {  	(tag) =	ssettag $0x1  }
0x1: {  	s1 =	srdreg.scid;
	s0 =	stileid.u32  }
0x2: {  	s2 =	rddreg [dreg:$0x0];
	s4 =	sand.u32 $0x1, s1;
	s30 =	sshll.u32 s0, $0x1  }
0x3: {  	s5 =	rddreg [dreg:$0x1];
	s3 =	simm.s32 $0x0;
	s6 =	sor.u32 s4, s30  }
0x4: {  	s10 =	simm.s32 $0x2000;
	[smem:$0x7FF] =	sst s3;
	s6 =	smul.u32 $0xC0, s6  }
0x5: {  	s11 =	simm.s32 $0x0;
	s1 =	rddreg [dreg:$0x2];
	_ =	strace $0x80000047  }
0x6: {  	s8 =	ssub.s32 $0x2, s4;
	s4 =	sadd.s32 $0x1200, s5;
	s7 =	sshrl.u32 s6, $0x3  }
0x7: {  	s31 =	sshrl.u32 s8, $0x1;
	s9 =	sadd.s32 $0xC0, s6;
	s7 =	sadd.s32 s7, s5  }
0x8: {  	v2 =	vimm.s32 $0x0;
	s8 =	ssub.s32 s8, s31;
	v1 =	vmov s9;
	s9 =	simm.s32 $0x2100;
	s5 =	sadd.s32 $0x1400, s7  }
0x9: {  	v3 =	vimm.f32 $0.0e+00;
	v4 =	vlaneseq.u32;
	v0 =	vmov s6;
	s6 =	sadd.s32 $0x1800, s7;
	s7 =	smax.u32 s8, $0x1;
	s8 =	simm.s32 $0x1  }
.LBB2_1:
0xa: {  	[tilespmem:s3], [sflag:$0x1] =	stream.linear.gather [hbm4b:s2+s3], $0x1000, $0x38;
	[tilespmem:$0x2200] =	vst v63  }
0xb: {  	_ =	swait.ge [sflag:s8], $0x1000  }
0xc: {  	[sflag:s8] =	ssyncset.done $0x0  }
0xd: {  	s12 =	simm.s32 $0x1000;
	[sflag:s8] =	ssyncadd.s32 $0xFFFFF000  }
0xe: {  	[tilespmem:s12], [sflag:$0x1] =	stream.linear.gather [hbm4b:s4+s3], $0x1000, $0x38;
	[tilespmem:$0x2200] =	vst v63  }
0xf: {  	_ =	swait.ge [sflag:s8], $0x1000  }
0x10: {  	[sflag:s8] =	ssyncset.done $0x0  }
0x11: {  	[sflag:s8] =	ssyncadd.s32 $0xFFFFF000  }
0x12: {  	[tilespmem:$0x2000] =	vst v2  }
0x13: {  	[tilespmem:$0x2100] =	vst v3  }
0x14: {  	[tilespmem:$0x2010] =	vst v2  }
0x15: {  	[tilespmem:$0x2110] =	vst v3  }
0x16: {  	[tilespmem:$0x2020] =	vst v2  }
0x17: {  	[tilespmem:$0x2120] =	vst v3  }
0x18: {  	[tilespmem:$0x2030] =	vst v2  }
0x19: {  	[tilespmem:$0x2130] =	vst v3  }
0x1a: {  	[tilespmem:$0x2040] =	vst v2  }
0x1b: {  	[tilespmem:$0x2140] =	vst v3  }
0x1c: {  	[tilespmem:$0x2050] =	vst v2  }
0x1d: {  	[tilespmem:$0x2150] =	vst v3  }
0x1e: {  	[tilespmem:$0x2060] =	vst v2  }
0x1f: {  	[tilespmem:$0x2160] =	vst v3  }
0x20: {  	[tilespmem:$0x2070] =	vst v2  }
0x21: {  	[tilespmem:$0x2170] =	vst v3  }
0x22: {  	[tilespmem:$0x2080] =	vst v2  }
0x23: {  	[tilespmem:$0x2180] =	vst v3  }
0x24: {  	[tilespmem:$0x2090] =	vst v2  }
0x25: {  	[tilespmem:$0x2190] =	vst v3  }
0x26: {  	[tilespmem:$0x20A0] =	vst v2  }
0x27: {  	[tilespmem:$0x21A0] =	vst v3  }
0x28: {  	[tilespmem:$0x20B0] =	vst v2  }
0x29: {  	[tilespmem:$0x21B0] =	vst v3  }
0x2a: {  	v5 =	vld [tilespmem:s3+$0x0];
	_ =	sdelay $0x4  }
0x2b: {  	v6 =	vsub.s32 v5, v0  }
0x2c: {  	vm0 =	vge.s32 v5, v0;
	vm1 =	vlt.s32 v5, v1;
	vm2 =	vgt.s32 v6, $0x0  }
0x2d: {  	vm0 =	vmand vm0, vm1;
	v5 =	vnsel vm2, $0x0, v6  }
0x2e: {  	v6 =	vld [tilespmem:s12+$0x0];
	v5 =	vmin.u32 v5, $0xBF;
	_ =	sdelay $0x3  }
0x2f: {  	v7 =	vor.u32 s3, v4  }
0x30: {  	v7 =	vand.u32 $0x7FF, v7;
	[tilespmem:v5+s9+$0x0] =	vst.idx.msk vm0, v6  }
0x31: {  	s13 =	simm.s32 $0x10;
	[tilespmem:v5+s10+$0x0] =	vst.idx.msk vm0, v7  }
0x32: {  	v5 =	vld [tilespmem:s13+$0x0]  }
0x33: {  	s14 =	simm.s32 $0x20;
	s15 =	simm.s32 $0x10  }
.LBB2_2:
0x34: {  	p0 =	sne.s32 s14, $0xFF0;
	_ =	sdelay $0x2  }
0x35: {  	v6 =	vsub.s32 v5, v0  }
0x36: {  	vm0 =	vge.s32 v5, v0;
	vm1 =	vlt.s32 v5, v1;
	vm2 =	vgt.s32 v6, $0x0  }
0x37: {  	s12 =	sadd.s32 $0x10, s12;
	vm0 =	vmand vm0, vm1;
	v5 =	vnsel vm2, $0x0, v6  }
0x38: {  	v6 =	vld [tilespmem:s12+$0x0];
	v5 =	vmin.u32 v5, $0xBF;
	_ =	sdelay $0x3  }
.Ltmp0:
0x39: {  	v7 =	vor.u32 s13, v4;
	s13 =	smov.u32 s14;
	(pc) =	sbr.rel @p0 .LBB2_2-.Ltmp0, $4  }
0x3a: {  	v7 =	vand.u32 $0x7FF, v7;
	[tilespmem:v5+s9+$0x0] =	vst.idx.msk vm0, v6  }
0x3b: {  	s15 =	sadd.s32 $0x10, s15;
	[tilespmem:v5+s10+$0x0] =	vst.idx.msk vm0, v7  }
0x3c: {  	v5 =	vld [tilespmem:s15+$0x0]  }
0x3d: {  	s14 =	sadd.s32 $0x10, s14  }
0x3e: {  	_ =	sdelay $0x2  }
0x3f: {  	v6 =	vsub.s32 v5, v0  }
0x40: {  	vm0 =	vge.s32 v5, v0;
	vm1 =	vlt.s32 v5, v1;
	vm2 =	vgt.s32 v6, $0x0  }
0x41: {  	s12 =	sadd.s32 $0x10, s12;
	vm0 =	vmand vm0, vm1;
	v5 =	vnsel vm2, $0x0, v6  }
0x42: {  	v6 =	vld [tilespmem:s12+$0x0];
	v5 =	vmin.u32 v5, $0xBF;
	_ =	sdelay $0x3  }
0x43: {  	v7 =	vor.u32 s13, v4  }
0x44: {  	v7 =	vand.u32 $0x7FF, v7;
	[tilespmem:v5+s9+$0x0] =	vst.idx.msk vm0, v6  }
0x45: {  	[tilespmem:v5+s10+$0x0] =	vst.idx.msk vm0, v7  }
0x46: {  	[hbm4b:s5+s3] =	stream.linear.scatter [tilespmem:s10], [sflag:$0x1], $0xC0, $0x38;
	[tilespmem:$0x2200] =	vst v63  }
0x47: {  	s11 =	sadd.s32 $0x1, s11;
	_ =	swait.ge [sflag:s8], $0xC0  }
0x48: {  	p0 =	sne.s32 s11, s7;
	[sflag:s8] =	ssyncset.done $0x0  }
.Ltmp1:
0x49: {  	[sflag:s8] =	ssyncadd.s32 $0xFFFFFF40;
	(pc) =	sbr.rel @p0 .LBB2_1-.Ltmp1, $4  }
0x4a: {  	[hbm4b:s6+s3] =	stream.linear.scatter [tilespmem:s9], [sflag:$0x1], $0xC0, $0x38;
	[tilespmem:$0x2200] =	vst v63  }
0x4b: {  	_ =	swait.ge [sflag:s8], $0xC0  }
0x4c: {  	[sflag:s8] =	ssyncset.done $0x0  }
0x4d: {  	[sflag:s8] =	ssyncadd.s32 $0xFFFFFF40  }
0x4e: {  	_ =	sfence.sel $0x180000  }
0x4f: {  	[bflag:$0x0] =	sbarrier.arrive $0xFFFF  }
0x50: {  	p0 =	sne.s32 s0, $0x0;
	_ =	strace $0x90000047  }
0x51: {  	s0 =	sadd.s32 @!p0 $0x100000, s1;
	[bflag:$0x2] =	sbarrier.arrive $0xFFFF  }
0x52: {  	[sflag:s0] =	ssyncadd.tile.s32 @!p0 $0x1;
	_ =	shalt  }
.Lfunc_end2:
_tile_overlayer_lowered:
.L_overlay_start_2:
0x53: {  	(tag) =	ssettag $0x2  }
0x54: {  	s0 =	rddreg [dreg:$0x0];
	s2 =	stileid.u32  }
0x55: {  	s1 =	rddreg [dreg:$0x1];
	p0 =	sne.s32 s2, $0x0  }
0x56: {  	s3 =	rddreg [dreg:$0x2];
	[bflag:$0x3] =	sbarrier.arrive $0xFFFF;
	s2 =	simm.s32 @!p0 $0x1C01  }
0x57: {  	[timem:s3], [sflag:s2] =	dma.local @!p0 [hbm:s0], s1  }
0x58: {  	s0 =	simm.s32 @!p0 $0x1  }
0x59: {  	_ =	swait.ge @!p0 [sflag:s0], s1  }
0x5a: {  	s1 =	ssub.s32 @!p0 $0x0, s1;
	[sflag:s0] =	ssyncset.done @!p0 $0x0  }
0x5b: {  	[sflag:s0] =	ssyncadd.s32 @!p0 s1  }
0x5c: {  	[bflag:$0x3] =	sbarrier.arrive $0xFFFF  }
0x5d: {  	_ =	shalt  }

</sc_bundles>
